<compile_context>
chip_gen: v7x
topology: tpu7x:2x2x1
jax: 0.10.2.dev20260603
libtpu: 0.0.44.dev20260713+nightly
codegen_flags: <defaults>
</compile_context>

<pallas_src>
import functools

import jax
import jax.numpy as jnp
from jax import lax
from jax.experimental import pallas as pl
from jax.experimental.pallas import tpu as pltpu
from jax.experimental.pallas import tpu_sc as plsc

EMBED_DIM = 64
NUM_BINS = 50
VOCAB = NUM_BINS + 3
B = 4096
G = 200

NC = 2
NS = 16
NW = NC * NS
UNITS = G * 8
PER_W = UNITS // NW
BLV = B // 16


TSTRIDE = EMBED_DIM + 1


def _sc_kernel(idx_hbm, norm_hbm, table_hbm, w_hbm, b_hbm, out_hbm,
               table_v, tpad_v, w_v, b_v, wsplat_v,
               idx_v0, norm_v0, out_v0, idx_v1, norm_v1, out_v1,
               si0, si1, so0, so1):
    wid = lax.axis_index("s") * NC + lax.axis_index("c")

    g0 = (wid * PER_W) % G
    pltpu.async_copy(idx_hbm.at[g0], idx_v0, si0)
    pltpu.async_copy(norm_hbm.at[g0], norm_v0, si0)

    pltpu.sync_copy(table_hbm, table_v)
    pltpu.sync_copy(w_hbm, w_v)
    pltpu.sync_copy(b_hbm, b_v)

    iota = lax.iota(jnp.int32, 16)

    def fold_b(i, _):
        for j in range(4):
            row = (table_v[pl.ds(i * EMBED_DIM + j * 16, 16)]
                   + b_v[pl.ds(j * 16, 16)])
            addr = jnp.broadcast_to(i * TSTRIDE + j * 16, (16,)) + iota
            plsc.store_scatter(tpad_v, [addr], row)
        return 0
    lax.fori_loop(0, VOCAB, fold_b, 0)

    for j in range(4):
        wj = w_v[pl.ds(16 * j, 16)]
        for l in range(16):
            wsplat_v[pl.ds((16 * j + l) * 16, 16)] = jnp.broadcast_to(
                wj[l], (16,))

    def gdh(k):
        u = wid * PER_W + k
        return u % G, u // G

    def in_start(k, idx_v, norm_v, si):
        g, _ = gdh(k)
        pltpu.async_copy(idx_hbm.at[g], idx_v, si)
        pltpu.async_copy(norm_hbm.at[g], norm_v, si)

    def in_drain(idx_v, norm_v, si):
        pltpu.make_async_copy(idx_hbm.at[0], idx_v, si).wait()
        pltpu.make_async_copy(norm_hbm.at[0], norm_v, si).wait()

    def out_drain(out_v, so):
        pltpu.make_async_copy(out_hbm.at[0, 0], out_v, so).wait()

    def compute(k, idx_v, norm_v, out_v):
        _, dh = gdh(k)
        dbase = dh * 8
        wds = tuple(wsplat_v[pl.ds((dbase + dl) * 16, 16)] for dl in range(8))
        dh8 = jnp.broadcast_to(dbase, (16,))

        @plsc.parallel_loop(0, BLV)
        def blv_body(i):
            iv = idx_v[pl.ds(i * 16, 16)]
            nv = norm_v[pl.ds(i * 16, 16)]
            base = iv * TSTRIDE + dh8
            bh = i >> 3
            bl = (i & 7) << 4
            for dl in range(8):
                row = plsc.load_gather(tpad_v, [base + dl])
                out_v[bh, dl, pl.ds(bl, 16)] = row + nv * wds[dl]

    def out_start(k, out_v, so):
        g, dh = gdh(k)
        pltpu.async_copy(out_v, out_hbm.at[g, dh], so)

    def pipe_body(kk, _):
        kA = 2 * kk
        kB = kA + 1

        in_start(kB, idx_v1, norm_v1, si1)
        in_drain(idx_v0, norm_v0, si0)

        @pl.when(kk > 0)
        def _():
            out_drain(out_v0, so0)
        compute(kA, idx_v0, norm_v0, out_v0)
        out_start(kA, out_v0, so0)

        @pl.when(kk < PER_W // 2 - 1)
        def _():
            in_start(kA + 2, idx_v0, norm_v0, si0)
        in_drain(idx_v1, norm_v1, si1)

        @pl.when(kk > 0)
        def _():
            out_drain(out_v1, so1)
        compute(kB, idx_v1, norm_v1, out_v1)
        out_start(kB, out_v1, so1)
        return 0

    lax.fori_loop(0, PER_W // 2, pipe_body, 0)
    out_drain(out_v0, so0)
    out_drain(out_v1, so1)


@jax.jit
def _run(idx, norm, table, w, b):
    mesh = plsc.VectorSubcoreMesh(core_axis_name="c", subcore_axis_name="s")
    kern = functools.partial(
        pl.kernel,
        mesh=mesh,
        compiler_params=pltpu.CompilerParams(needs_layout_passes=False),
        out_type=jax.ShapeDtypeStruct((G, 8, 32, 8, 128), jnp.float32),
        scratch_types=[
            pltpu.VMEM((VOCAB * EMBED_DIM,), jnp.float32),
            pltpu.VMEM((VOCAB * TSTRIDE + 11,), jnp.float32),
            pltpu.VMEM((EMBED_DIM,), jnp.float32),
            pltpu.VMEM((EMBED_DIM,), jnp.float32),
            pltpu.VMEM((EMBED_DIM * 16,), jnp.float32),
            pltpu.VMEM((B,), jnp.int32),
            pltpu.VMEM((B,), jnp.float32),
            pltpu.VMEM((32, 8, 128), jnp.float32),
            pltpu.VMEM((B,), jnp.int32),
            pltpu.VMEM((B,), jnp.float32),
            pltpu.VMEM((32, 8, 128), jnp.float32),
            pltpu.SemaphoreType.DMA,
            pltpu.SemaphoreType.DMA,
            pltpu.SemaphoreType.DMA,
            pltpu.SemaphoreType.DMA,
        ],
    )(_sc_kernel)
    out5 = kern(idx, norm, table, w, b)
    return out5.transpose(2, 4, 0, 1, 3).reshape(B, G, EMBED_DIM)


def kernel(discrete_expression, normalized_expr, bin_table, W, b):
    idx = discrete_expression.astype(jnp.int32).T
    norm = normalized_expr.T
    table = bin_table.reshape(-1)
    w = W.reshape(-1)
    return _run(idx, norm, table, w, b)

# --- scband reference (transcript-rebuilt; emitter-appended) ---
"""Pipeline reference for scband-expression-embedding-10136122819127 (READ-ONLY COPY).

The authoritative reference and input builder live on the scoring server;
editing this copy changes nothing except your own understanding.
"""

import jax, jax.numpy as jnp
import numpy as np

EMBED_DIM = 64
NUM_BINS = 50
VOCAB = NUM_BINS + 3
B = 4096
G = 200

def _xavier(key, shape):
    fan_in, fan_out = shape[1], shape[0]
    a = float(np.sqrt(6.0 / (fan_in + fan_out)))
    return jax.random.uniform(key, shape, dtype=jnp.float32, minval=-a, maxval=a)

def setup_inputs(seed: int = 0) -> dict:
    key = jax.random.key(seed)
    k1, k2, k3, k4 = jax.random.split(key, 4)
    discrete_expression = jax.random.randint(k1, (B, G), 0, VOCAB, dtype=jnp.int64)
    normalized_expr = jax.random.normal(k2, (B, G), dtype=jnp.float32)
    # bin_embedding weight: xavier_uniform over (VOCAB, EMBED_DIM)
    bin_table = _xavier(k3, (VOCAB, EMBED_DIM))
    # continuous_projection: Linear(1, EMBED_DIM) -> weight (EMBED_DIM, 1), bias zeros
    W = _xavier(k4, (EMBED_DIM, 1))
    b = jnp.zeros((EMBED_DIM,), dtype=jnp.float32)
    return {"discrete_expression": discrete_expression, "normalized_expr": normalized_expr, "bin_table": bin_table, "W": W, "b": b}

def reference(discrete_expression, normalized_expr, bin_table, W, b):
    # bin embedding lookup (gather)
    discrete_embeddings = jnp.take(bin_table, discrete_expression, axis=0)  # (B, G, d)
    # continuous projection: Linear(1, d) on normalized_expr.unsqueeze(-1)
    continuous_component = jnp.matmul(normalized_expr[..., None], W.T) + b  # (B, G, d)
    expr_embeddings = discrete_embeddings + continuous_component
    return expr_embeddings

if __name__ == "__main__":
    import jax
    _d = setup_inputs()
    print(jax.jit(kernel)(*tuple(_d.values())))

</pallas_src>

<mosaic_0001>
#map = affine_map<(d0, d1) -> (0, 0)>
#map1 = affine_map<(d0, d1) -> (0)>
#map2 = affine_map<(d0, d1) -> (0, 0, 0, 0, 0)>
module attributes {stable_mosaic.version = 14 : i64} {
  func.func @_sc_kernel(%arg0: i32, %arg1: i32, %arg2: memref<200x4096xi32, #tpu.memory_space<hbm>>, %arg3: memref<200x4096xf32, #tpu.memory_space<hbm>>, %arg4: memref<3392xf32, #tpu.memory_space<hbm>>, %arg5: memref<64xf32, #tpu.memory_space<hbm>>, %arg6: memref<64xf32, #tpu.memory_space<hbm>>, %arg7: memref<200x8x32x8x128xf32, #tpu.memory_space<hbm>>, %arg8: memref<3392xf32, #tpu.memory_space<vmem>>, %arg9: memref<3456xf32, #tpu.memory_space<vmem>>, %arg10: memref<64xf32, #tpu.memory_space<vmem>>, %arg11: memref<64xf32, #tpu.memory_space<vmem>>, %arg12: memref<1024xf32, #tpu.memory_space<vmem>>, %arg13: memref<4096xi32, #tpu.memory_space<vmem>>, %arg14: memref<4096xf32, #tpu.memory_space<vmem>>, %arg15: memref<32x8x128xf32, #tpu.memory_space<vmem>>, %arg16: memref<4096xi32, #tpu.memory_space<vmem>>, %arg17: memref<4096xf32, #tpu.memory_space<vmem>>, %arg18: memref<32x8x128xf32, #tpu.memory_space<vmem>>, %arg19: memref<!tpu.dma_semaphore, #tpu.memory_space<semaphore_mem>>, %arg20: memref<!tpu.dma_semaphore, #tpu.memory_space<semaphore_mem>>, %arg21: memref<!tpu.dma_semaphore, #tpu.memory_space<semaphore_mem>>, %arg22: memref<!tpu.dma_semaphore, #tpu.memory_space<semaphore_mem>>) attributes {dimension_semantics = [#tpu.dimension_semantics<core_parallel>, #tpu.dimension_semantics<subcore_parallel>], iteration_bounds = array<i64: 2, 16>, scalar_prefetch = 0 : i64, scratch_operands = 15 : i64, tpu.core_type = #tpu.core_type<sc_vector_subcore>, window_params = [{transform_indices = #map}, {transform_indices = #map}, {transform_indices = #map1}, {transform_indices = #map1}, {transform_indices = #map1}, {transform_indices = #map2}]} {
    %mul3A = arith.constant 2 : i32
    %mul3A_0 = arith.muli %arg1, %mul3A : i32
    %add3A = arith.addi %mul3A_0, %arg0 : i32
    %mul3A_1 = arith.constant 50 : i32
    %mul3A_2 = arith.muli %add3A, %mul3A_1 : i32
    %jit3A = arith.constant 200 : i32
    %eq3A = arith.constant 0 : i32
    %eq3A_3 = arith.cmpi eq, %jit3A, %eq3A : i32
    %jit3A_4 = arith.constant 1 : i32
    %select_n3A = arith.select %eq3A_3, %jit3A_4, %jit3A : i32
    %rem3A = arith.remsi %mul3A_2, %select_n3A : i32
    %ne3A = arith.constant 0 : i32
    %ne3A_5 = arith.cmpi ne, %rem3A, %ne3A : i32
    %lt3A = arith.constant 0 : i32
    %lt3A_6 = arith.cmpi slt, %rem3A, %lt3A : i32
    %lt3A_7 = arith.constant 0 : i32
    %lt3A_8 = arith.cmpi slt, %select_n3A, %lt3A_7 : i32
    %ne3A_9 = arith.xori %lt3A_6, %lt3A_8 : i1
    %and3A = arith.andi %ne3A_9, %ne3A_5 : i1
    %add3A_10 = arith.addi %rem3A, %select_n3A : i32
    %select_n3A_11 = arith.select %and3A, %add3A_10, %rem3A : i32
    %dma_start3A = arith.constant 0 : i32
    %dma_start3A_12 = tpu.memref_slice %arg2[%select_n3A_11, %dma_start3A] : memref<200x4096xi32, #tpu.memory_space<hbm>> -> memref<1x4096xi32, #tpu.memory_space<hbm>>
    %dma_start3A_13 = tpu.memref_squeeze %dma_start3A_12 : memref<1x4096xi32, #tpu.memory_space<hbm>> -> memref<4096xi32, #tpu.memory_space<hbm>>
    %dma_start3A_14 = arith.constant 0 : i32
    %dma_start3A_15 = tpu.memref_slice %arg2[%select_n3A_11, %dma_start3A_14] : memref<200x4096xi32, #tpu.memory_space<hbm>> -> memref<1x4096xi32, #tpu.memory_space<hbm>>
    %dma_start3A_16 = tpu.memref_squeeze %dma_start3A_15 : memref<1x4096xi32, #tpu.memory_space<hbm>> -> memref<4096xi32, #tpu.memory_space<hbm>>
    tpu.enqueue_dma source(%dma_start3A_16 : memref<4096xi32, #tpu.memory_space<hbm>>) target(%arg13 : memref<4096xi32, #tpu.memory_space<vmem>>) target_semaphore(%arg19 : memref<!tpu.dma_semaphore, #tpu.memory_space<semaphore_mem>>)
    %dma_start3A_17 = arith.constant 0 : i32
    %dma_start3A_18 = tpu.memref_slice %arg3[%select_n3A_11, %dma_start3A_17] : memref<200x4096xf32, #tpu.memory_space<hbm>> -> memref<1x4096xf32, #tpu.memory_space<hbm>>
    %dma_start3A_19 = tpu.memref_squeeze %dma_start3A_18 : memref<1x4096xf32, #tpu.memory_space<hbm>> -> memref<4096xf32, #tpu.memory_space<hbm>>
    %dma_start3A_20 = arith.constant 0 : i32
    %dma_start3A_21 = tpu.memref_slice %arg3[%select_n3A_11, %dma_start3A_20] : memref<200x4096xf32, #tpu.memory_space<hbm>> -> memref<1x4096xf32, #tpu.memory_space<hbm>>
    %dma_start3A_22 = tpu.memref_squeeze %dma_start3A_21 : memref<1x4096xf32, #tpu.memory_space<hbm>> -> memref<4096xf32, #tpu.memory_space<hbm>>
    tpu.enqueue_dma source(%dma_start3A_22 : memref<4096xf32, #tpu.memory_space<hbm>>) target(%arg14 : memref<4096xf32, #tpu.memory_space<vmem>>) target_semaphore(%arg19 : memref<!tpu.dma_semaphore, #tpu.memory_space<semaphore_mem>>)
    "tpu.region"() ({
      %run_scoped3A = tpu.sem_alloc : memref<!tpu.dma_semaphore, #tpu.memory_space<semaphore_mem>>
      tpu.enqueue_dma source(%arg4 : memref<3392xf32, #tpu.memory_space<hbm>>) target(%arg8 : memref<3392xf32, #tpu.memory_space<vmem>>) target_semaphore(%run_scoped3A : memref<!tpu.dma_semaphore, #tpu.memory_space<semaphore_mem>>)
      tpu.wait_dma2 semaphore(%run_scoped3A : memref<!tpu.dma_semaphore, #tpu.memory_space<semaphore_mem>>) src(%arg4 : memref<3392xf32, #tpu.memory_space<hbm>>) dst(%arg8 : memref<3392xf32, #tpu.memory_space<vmem>>)
      tpu.yield
    }) : () -> ()
    "tpu.region"() ({
      %run_scoped3A = tpu.sem_alloc : memref<!tpu.dma_semaphore, #tpu.memory_space<semaphore_mem>>
      tpu.enqueue_dma source(%arg5 : memref<64xf32, #tpu.memory_space<hbm>>) target(%arg10 : memref<64xf32, #tpu.memory_space<vmem>>) target_semaphore(%run_scoped3A : memref<!tpu.dma_semaphore, #tpu.memory_space<semaphore_mem>>)
      tpu.wait_dma2 semaphore(%run_scoped3A : memref<!tpu.dma_semaphore, #tpu.memory_space<semaphore_mem>>) src(%arg5 : memref<64xf32, #tpu.memory_space<hbm>>) dst(%arg10 : memref<64xf32, #tpu.memory_space<vmem>>)
      tpu.yield
    }) : () -> ()
    "tpu.region"() ({
      %run_scoped3A = tpu.sem_alloc : memref<!tpu.dma_semaphore, #tpu.memory_space<semaphore_mem>>
      tpu.enqueue_dma source(%arg6 : memref<64xf32, #tpu.memory_space<hbm>>) target(%arg11 : memref<64xf32, #tpu.memory_space<vmem>>) target_semaphore(%run_scoped3A : memref<!tpu.dma_semaphore, #tpu.memory_space<semaphore_mem>>)
      tpu.wait_dma2 semaphore(%run_scoped3A : memref<!tpu.dma_semaphore, #tpu.memory_space<semaphore_mem>>) src(%arg6 : memref<64xf32, #tpu.memory_space<hbm>>) dst(%arg11 : memref<64xf32, #tpu.memory_space<vmem>>)
      tpu.yield
    }) : () -> ()
    %iota3A = tpu.iota {dimensions = array<i32: 0>} : vector<16xi32>
    %scan3A = arith.constant 0 : i32
    %scan3A_23 = arith.constant 0 : i32
    %scan3A_24 = arith.constant 53 : i32
    %scan3A_25 = arith.addi %scan3A_23, %scan3A_24 : i32
    %scan3A_26 = arith.constant 1 : i32
    %scan3A_27 = scf.for %scan3A_382 = %scan3A_23 to %scan3A_25 step %scan3A_26 iter_args(%scan3A_383 = %scan3A) -> (i32)  : i32 {
      %mul3A_384 = arith.constant 64 : i32
      %mul3A_385 = arith.muli %scan3A_382, %mul3A_384 : i32
      %add3A_386 = arith.constant 0 : i32
      %add3A_387 = arith.addi %mul3A_385, %add3A_386 : i32
      %get3A_388 = arith.index_cast %add3A_387 : i32 to index
      %get3A_389 = tpu.vector_load %arg8[%get3A_388] {strides = array<i32>} : memref<3392xf32, #tpu.memory_space<vmem>>, vector<16xf32>,
      %get3A_390 = arith.constant 0 : index
      %get3A_391 = tpu.vector_load %arg11[%get3A_390] {strides = array<i32>} : memref<64xf32, #tpu.memory_space<vmem>>, vector<16xf32>,
      %add3A_392 = arith.addf %get3A_389, %get3A_391 : vector<16xf32>
      %mul3A_393 = arith.constant 65 : i32
      %mul3A_394 = arith.muli %scan3A_382, %mul3A_393 : i32
      %add3A_395 = arith.constant 0 : i32
      %add3A_396 = arith.addi %mul3A_394, %add3A_395 : i32
      %broadcast_in_dim3A_397 = vector.broadcast %add3A_396 : i32 to vector<16xi32>
      %add3A_398 = arith.addi %broadcast_in_dim3A_397, %iota3A : vector<16xi32>
      tpu.vector_store_idx %arg9[%add3A_398], %add3A_392 : memref<3456xf32, #tpu.memory_space<vmem>>[vector<16xi32>], vector<16xf32>,
      %mul3A_399 = arith.constant 64 : i32
      %mul3A_400 = arith.muli %scan3A_382, %mul3A_399 : i32
      %add3A_401 = arith.constant 16 : i32
      %add3A_402 = arith.addi %mul3A_400, %add3A_401 : i32
      %get3A_403 = arith.index_cast %add3A_402 : i32 to index
      %get3A_404 = tpu.vector_load %arg8[%get3A_403] {strides = array<i32>} : memref<3392xf32, #tpu.memory_space<vmem>>, vector<16xf32>,
      %get3A_405 = arith.constant 16 : index
      %get3A_406 = tpu.vector_load %arg11[%get3A_405] {strides = array<i32>} : memref<64xf32, #tpu.memory_space<vmem>>, vector<16xf32>,
      %add3A_407 = arith.addf %get3A_404, %get3A_406 : vector<16xf32>
      %mul3A_408 = arith.constant 65 : i32
      %mul3A_409 = arith.muli %scan3A_382, %mul3A_408 : i32
      %add3A_410 = arith.constant 16 : i32
      %add3A_411 = arith.addi %mul3A_409, %add3A_410 : i32
      %broadcast_in_dim3A_412 = vector.broadcast %add3A_411 : i32 to vector<16xi32>
      %add3A_413 = arith.addi %broadcast_in_dim3A_412, %iota3A : vector<16xi32>
      tpu.vector_store_idx %arg9[%add3A_413], %add3A_407 : memref<3456xf32, #tpu.memory_space<vmem>>[vector<16xi32>], vector<16xf32>,
      %mul3A_414 = arith.constant 64 : i32
      %mul3A_415 = arith.muli %scan3A_382, %mul3A_414 : i32
      %add3A_416 = arith.constant 32 : i32
      %add3A_417 = arith.addi %mul3A_415, %add3A_416 : i32
      %get3A_418 = arith.index_cast %add3A_417 : i32 to index
      %get3A_419 = tpu.vector_load %arg8[%get3A_418] {strides = array<i32>} : memref<3392xf32, #tpu.memory_space<vmem>>, vector<16xf32>,
      %get3A_420 = arith.constant 32 : index
      %get3A_421 = tpu.vector_load %arg11[%get3A_420] {strides = array<i32>} : memref<64xf32, #tpu.memory_space<vmem>>, vector<16xf32>,
      %add3A_422 = arith.addf %get3A_419, %get3A_421 : vector<16xf32>
      %mul3A_423 = arith.constant 65 : i32
      %mul3A_424 = arith.muli %scan3A_382, %mul3A_423 : i32
      %add3A_425 = arith.constant 32 : i32
      %add3A_426 = arith.addi %mul3A_424, %add3A_425 : i32
      %broadcast_in_dim3A_427 = vector.broadcast %add3A_426 : i32 to vector<16xi32>
      %add3A_428 = arith.addi %broadcast_in_dim3A_427, %iota3A : vector<16xi32>
      tpu.vector_store_idx %arg9[%add3A_428], %add3A_422 : memref<3456xf32, #tpu.memory_space<vmem>>[vector<16xi32>], vector<16xf32>,
      %mul3A_429 = arith.constant 64 : i32
      %mul3A_430 = arith.muli %scan3A_382, %mul3A_429 : i32
      %add3A_431 = arith.constant 48 : i32
      %add3A_432 = arith.addi %mul3A_430, %add3A_431 : i32
      %get3A_433 = arith.index_cast %add3A_432 : i32 to index
      %get3A_434 = tpu.vector_load %arg8[%get3A_433] {strides = array<i32>} : memref<3392xf32, #tpu.memory_space<vmem>>, vector<16xf32>,
      %get3A_435 = arith.constant 48 : index
      %get3A_436 = tpu.vector_load %arg11[%get3A_435] {strides = array<i32>} : memref<64xf32, #tpu.memory_space<vmem>>, vector<16xf32>,
      %add3A_437 = arith.addf %get3A_434, %get3A_436 : vector<16xf32>
      %mul3A_438 = arith.constant 65 : i32
      %mul3A_439 = arith.muli %scan3A_382, %mul3A_438 : i32
      %add3A_440 = arith.constant 48 : i32
      %add3A_441 = arith.addi %mul3A_439, %add3A_440 : i32
      %broadcast_in_dim3A_442 = vector.broadcast %add3A_441 : i32 to vector<16xi32>
      %add3A_443 = arith.addi %broadcast_in_dim3A_442, %iota3A : vector<16xi32>
      tpu.vector_store_idx %arg9[%add3A_443], %add3A_437 : memref<3456xf32, #tpu.memory_space<vmem>>[vector<16xi32>], vector<16xf32>,
      %scan3A_444 = arith.constant 0 : i32
      scf.yield %scan3A_444 : i32
    }
    %scan3A_28 = arith.constant 53 : i32
    %get3A = arith.constant 0 : index
    %get3A_29 = tpu.vector_load %arg10[%get3A] {strides = array<i32>} : memref<64xf32, #tpu.memory_space<vmem>>, vector<16xf32>,
    %slice3A = vector.extract_strided_slice %get3A_29 {offsets = [0], sizes = [1], strides = [1]} : vector<16xf32> to vector<1xf32>
    %squeeze3A = vector.extract %slice3A[0] : f32 from vector<1xf32>
    %broadcast_in_dim3A = vector.broadcast %squeeze3A : f32 to vector<16xf32>
    %swap3A = arith.constant 0 : index
    %swap3A_30 = tpu.vector_load %arg12[%swap3A] {strides = array<i32>} : memref<1024xf32, #tpu.memory_space<vmem>>, vector<16xf32>,
    tpu.vector_store %arg12[%swap3A], %broadcast_in_dim3A {strides = array<i32>} : memref<1024xf32, #tpu.memory_space<vmem>>, vector<16xf32>,
    %slice3A_31 = vector.extract_strided_slice %get3A_29 {offsets = [1], sizes = [1], strides = [1]} : vector<16xf32> to vector<1xf32>
    %squeeze3A_32 = vector.extract %slice3A_31[0] : f32 from vector<1xf32>
    %broadcast_in_dim3A_33 = vector.broadcast %squeeze3A_32 : f32 to vector<16xf32>
    %swap3A_34 = arith.constant 16 : index
    %swap3A_35 = tpu.vector_load %arg12[%swap3A_34] {strides = array<i32>} : memref<1024xf32, #tpu.memory_space<vmem>>, vector<16xf32>,
    tpu.vector_store %arg12[%swap3A_34], %broadcast_in_dim3A_33 {strides = array<i32>} : memref<1024xf32, #tpu.memory_space<vmem>>, vector<16xf32>,
    %slice3A_36 = vector.extract_strided_slice %get3A_29 {offsets = [2], sizes = [1], strides = [1]} : vector<16xf32> to vector<1xf32>
    %squeeze3A_37 = vector.extract %slice3A_36[0] : f32 from vector<1xf32>
    %broadcast_in_dim3A_38 = vector.broadcast %squeeze3A_37 : f32 to vector<16xf32>
    %swap3A_39 = arith.constant 32 : index
    %swap3A_40 = tpu.vector_load %arg12[%swap3A_39] {strides = array<i32>} : memref<1024xf32, #tpu.memory_space<vmem>>, vector<16xf32>,
    tpu.vector_store %arg12[%swap3A_39], %broadcast_in_dim3A_38 {strides = array<i32>} : memref<1024xf32, #tpu.memory_space<vmem>>, vector<16xf32>,
    %slice3A_41 = vector.extract_strided_slice %get3A_29 {offsets = [3], sizes = [1], strides = [1]} : vector<16xf32> to vector<1xf32>
    %squeeze3A_42 = vector.extract %slice3A_41[0] : f32 from vector<1xf32>
    %broadcast_in_dim3A_43 = vector.broadcast %squeeze3A_42 : f32 to vector<16xf32>
    %swap3A_44 = arith.constant 48 : index
    %swap3A_45 = tpu.vector_load %arg12[%swap3A_44] {strides = array<i32>} : memref<1024xf32, #tpu.memory_space<vmem>>, vector<16xf32>,
    tpu.vector_store %arg12[%swap3A_44], %broadcast_in_dim3A_43 {strides = array<i32>} : memref<1024xf32, #tpu.memory_space<vmem>>, vector<16xf32>,
    %slice3A_46 = vector.extract_strided_slice %get3A_29 {offsets = [4], sizes = [1], strides = [1]} : vector<16xf32> to vector<1xf32>
    %squeeze3A_47 = vector.extract %slice3A_46[0] : f32 from vector<1xf32>
    %broadcast_in_dim3A_48 = vector.broadcast %squeeze3A_47 : f32 to vector<16xf32>
    %swap3A_49 = arith.constant 64 : index
    %swap3A_50 = tpu.vector_load %arg12[%swap3A_49] {strides = array<i32>} : memref<1024xf32, #tpu.memory_space<vmem>>, vector<16xf32>,
    tpu.vector_store %arg12[%swap3A_49], %broadcast_in_dim3A_48 {strides = array<i32>} : memref<1024xf32, #tpu.memory_space<vmem>>, vector<16xf32>,
    %slice3A_51 = vector.extract_strided_slice %get3A_29 {offsets = [5], sizes = [1], strides = [1]} : vector<16xf32> to vector<1xf32>
    %squeeze3A_52 = vector.extract %slice3A_51[0] : f32 from vector<1xf32>
    %broadcast_in_dim3A_53 = vector.broadcast %squeeze3A_52 : f32 to vector<16xf32>
    %swap3A_54 = arith.constant 80 : index
    %swap3A_55 = tpu.vector_load %arg12[%swap3A_54] {strides = array<i32>} : memref<1024xf32, #tpu.memory_space<vmem>>, vector<16xf32>,
    tpu.vector_store %arg12[%swap3A_54], %broadcast_in_dim3A_53 {strides = array<i32>} : memref<1024xf32, #tpu.memory_space<vmem>>, vector<16xf32>,
    %slice3A_56 = vector.extract_strided_slice %get3A_29 {offsets = [6], sizes = [1], strides = [1]} : vector<16xf32> to vector<1xf32>
    %squeeze3A_57 = vector.extract %slice3A_56[0] : f32 from vector<1xf32>
    %broadcast_in_dim3A_58 = vector.broadcast %squeeze3A_57 : f32 to vector<16xf32>
    %swap3A_59 = arith.constant 96 : index
    %swap3A_60 = tpu.vector_load %arg12[%swap3A_59] {strides = array<i32>} : memref<1024xf32, #tpu.memory_space<vmem>>, vector<16xf32>,
    tpu.vector_store %arg12[%swap3A_59], %broadcast_in_dim3A_58 {strides = array<i32>} : memref<1024xf32, #tpu.memory_space<vmem>>, vector<16xf32>,
    %slice3A_61 = vector.extract_strided_slice %get3A_29 {offsets = [7], sizes = [1], strides = [1]} : vector<16xf32> to vector<1xf32>
    %squeeze3A_62 = vector.extract %slice3A_61[0] : f32 from vector<1xf32>
    %broadcast_in_dim3A_63 = vector.broadcast %squeeze3A_62 : f32 to vector<16xf32>
    %swap3A_64 = arith.constant 112 : index
    %swap3A_65 = tpu.vector_load %arg12[%swap3A_64] {strides = array<i32>} : memref<1024xf32, #tpu.memory_space<vmem>>, vector<16xf32>,
    tpu.vector_store %arg12[%swap3A_64], %broadcast_in_dim3A_63 {strides = array<i32>} : memref<1024xf32, #tpu.memory_space<vmem>>, vector<16xf32>,
    %slice3A_66 = vector.extract_strided_slice %get3A_29 {offsets = [8], sizes = [1], strides = [1]} : vector<16xf32> to vector<1xf32>
    %squeeze3A_67 = vector.extract %slice3A_66[0] : f32 from vector<1xf32>
    %broadcast_in_dim3A_68 = vector.broadcast %squeeze3A_67 : f32 to vector<16xf32>
    %swap3A_69 = arith.constant 128 : index
    %swap3A_70 = tpu.vector_load %arg12[%swap3A_69] {strides = array<i32>} : memref<1024xf32, #tpu.memory_space<vmem>>, vector<16xf32>,
    tpu.vector_store %arg12[%swap3A_69], %broadcast_in_dim3A_68 {strides = array<i32>} : memref<1024xf32, #tpu.memory_space<vmem>>, vector<16xf32>,
    %slice3A_71 = vector.extract_strided_slice %get3A_29 {offsets = [9], sizes = [1], strides = [1]} : vector<16xf32> to vector<1xf32>
    %squeeze3A_72 = vector.extract %slice3A_71[0] : f32 from vector<1xf32>
    %broadcast_in_dim3A_73 = vector.broadcast %squeeze3A_72 : f32 to vector<16xf32>
    %swap3A_74 = arith.constant 144 : index
    %swap3A_75 = tpu.vector_load %arg12[%swap3A_74] {strides = array<i32>} : memref<1024xf32, #tpu.memory_space<vmem>>, vector<16xf32>,
    tpu.vector_store %arg12[%swap3A_74], %broadcast_in_dim3A_73 {strides = array<i32>} : memref<1024xf32, #tpu.memory_space<vmem>>, vector<16xf32>,
    %slice3A_76 = vector.extract_strided_slice %get3A_29 {offsets = [10], sizes = [1], strides = [1]} : vector<16xf32> to vector<1xf32>
    %squeeze3A_77 = vector.extract %slice3A_76[0] : f32 from vector<1xf32>
    %broadcast_in_dim3A_78 = vector.broadcast %squeeze3A_77 : f32 to vector<16xf32>
    %swap3A_79 = arith.constant 160 : index
    %swap3A_80 = tpu.vector_load %arg12[%swap3A_79] {strides = array<i32>} : memref<1024xf32, #tpu.memory_space<vmem>>, vector<16xf32>,
    tpu.vector_store %arg12[%swap3A_79], %broadcast_in_dim3A_78 {strides = array<i32>} : memref<1024xf32, #tpu.memory_space<vmem>>, vector<16xf32>,
    %slice3A_81 = vector.extract_strided_slice %get3A_29 {offsets = [11], sizes = [1], strides = [1]} : vector<16xf32> to vector<1xf32>
    %squeeze3A_82 = vector.extract %slice3A_81[0] : f32 from vector<1xf32>
    %broadcast_in_dim3A_83 = vector.broadcast %squeeze3A_82 : f32 to vector<16xf32>
    %swap3A_84 = arith.constant 176 : index
    %swap3A_85 = tpu.vector_load %arg12[%swap3A_84] {strides = array<i32>} : memref<1024xf32, #tpu.memory_space<vmem>>, vector<16xf32>,
    tpu.vector_store %arg12[%swap3A_84], %broadcast_in_dim3A_83 {strides = array<i32>} : memref<1024xf32, #tpu.memory_space<vmem>>, vector<16xf32>,
    %slice3A_86 = vector.extract_strided_slice %get3A_29 {offsets = [12], sizes = [1], strides = [1]} : vector<16xf32> to vector<1xf32>
    %squeeze3A_87 = vector.extract %slice3A_86[0] : f32 from vector<1xf32>
    %broadcast_in_dim3A_88 = vector.broadcast %squeeze3A_87 : f32 to vector<16xf32>
    %swap3A_89 = arith.constant 192 : index
    %swap3A_90 = tpu.vector_load %arg12[%swap3A_89] {strides = array<i32>} : memref<1024xf32, #tpu.memory_space<vmem>>, vector<16xf32>,
    tpu.vector_store %arg12[%swap3A_89], %broadcast_in_dim3A_88 {strides = array<i32>} : memref<1024xf32, #tpu.memory_space<vmem>>, vector<16xf32>,
    %slice3A_91 = vector.extract_strided_slice %get3A_29 {offsets = [13], sizes = [1], strides = [1]} : vector<16xf32> to vector<1xf32>
    %squeeze3A_92 = vector.extract %slice3A_91[0] : f32 from vector<1xf32>
    %broadcast_in_dim3A_93 = vector.broadcast %squeeze3A_92 : f32 to vector<16xf32>
    %swap3A_94 = arith.constant 208 : index
    %swap3A_95 = tpu.vector_load %arg12[%swap3A_94] {strides = array<i32>} : memref<1024xf32, #tpu.memory_space<vmem>>, vector<16xf32>,
    tpu.vector_store %arg12[%swap3A_94], %broadcast_in_dim3A_93 {strides = array<i32>} : memref<1024xf32, #tpu.memory_space<vmem>>, vector<16xf32>,
    %slice3A_96 = vector.extract_strided_slice %get3A_29 {offsets = [14], sizes = [1], strides = [1]} : vector<16xf32> to vector<1xf32>
    %squeeze3A_97 = vector.extract %slice3A_96[0] : f32 from vector<1xf32>
    %broadcast_in_dim3A_98 = vector.broadcast %squeeze3A_97 : f32 to vector<16xf32>
    %swap3A_99 = arith.constant 224 : index
    %swap3A_100 = tpu.vector_load %arg12[%swap3A_99] {strides = array<i32>} : memref<1024xf32, #tpu.memory_space<vmem>>, vector<16xf32>,
    tpu.vector_store %arg12[%swap3A_99], %broadcast_in_dim3A_98 {strides = array<i32>} : memref<1024xf32, #tpu.memory_space<vmem>>, vector<16xf32>,
    %slice3A_101 = vector.extract_strided_slice %get3A_29 {offsets = [15], sizes = [1], strides = [1]} : vector<16xf32> to vector<1xf32>
    %squeeze3A_102 = vector.extract %slice3A_101[0] : f32 from vector<1xf32>
    %broadcast_in_dim3A_103 = vector.broadcast %squeeze3A_102 : f32 to vector<16xf32>
    %swap3A_104 = arith.constant 240 : index
    %swap3A_105 = tpu.vector_load %arg12[%swap3A_104] {strides = array<i32>} : memref<1024xf32, #tpu.memory_space<vmem>>, vector<16xf32>,
    tpu.vector_store %arg12[%swap3A_104], %broadcast_in_dim3A_103 {strides = array<i32>} : memref<1024xf32, #tpu.memory_space<vmem>>, vector<16xf32>,
    %get3A_106 = arith.constant 16 : index
    %get3A_107 = tpu.vector_load %arg10[%get3A_106] {strides = array<i32>} : memref<64xf32, #tpu.memory_space<vmem>>, vector<16xf32>,
    %slice3A_108 = vector.extract_strided_slice %get3A_107 {offsets = [0], sizes = [1], strides = [1]} : vector<16xf32> to vector<1xf32>
    %squeeze3A_109 = vector.extract %slice3A_108[0] : f32 from vector<1xf32>
    %broadcast_in_dim3A_110 = vector.broadcast %squeeze3A_109 : f32 to vector<16xf32>
    %swap3A_111 = arith.constant 256 : index
    %swap3A_112 = tpu.vector_load %arg12[%swap3A_111] {strides = array<i32>} : memref<1024xf32, #tpu.memory_space<vmem>>, vector<16xf32>,
    tpu.vector_store %arg12[%swap3A_111], %broadcast_in_dim3A_110 {strides = array<i32>} : memref<1024xf32, #tpu.memory_space<vmem>>, vector<16xf32>,
    %slice3A_113 = vector.extract_strided_slice %get3A_107 {offsets = [1], sizes = [1], strides = [1]} : vector<16xf32> to vector<1xf32>
    %squeeze3A_114 = vector.extract %slice3A_113[0] : f32 from vector<1xf32>
    %broadcast_in_dim3A_115 = vector.broadcast %squeeze3A_114 : f32 to vector<16xf32>
    %swap3A_116 = arith.constant 272 : index
    %swap3A_117 = tpu.vector_load %arg12[%swap3A_116] {strides = array<i32>} : memref<1024xf32, #tpu.memory_space<vmem>>, vector<16xf32>,
    tpu.vector_store %arg12[%swap3A_116], %broadcast_in_dim3A_115 {strides = array<i32>} : memref<1024xf32, #tpu.memory_space<vmem>>, vector<16xf32>,
    %slice3A_118 = vector.extract_strided_slice %get3A_107 {offsets = [2], sizes = [1], strides = [1]} : vector<16xf32> to vector<1xf32>
    %squeeze3A_119 = vector.extract %slice3A_118[0] : f32 from vector<1xf32>
    %broadcast_in_dim3A_120 = vector.broadcast %squeeze3A_119 : f32 to vector<16xf32>
    %swap3A_121 = arith.constant 288 : index
    %swap3A_122 = tpu.vector_load %arg12[%swap3A_121] {strides = array<i32>} : memref<1024xf32, #tpu.memory_space<vmem>>, vector<16xf32>,
    tpu.vector_store %arg12[%swap3A_121], %broadcast_in_dim3A_120 {strides = array<i32>} : memref<1024xf32, #tpu.memory_space<vmem>>, vector<16xf32>,
    %slice3A_123 = vector.extract_strided_slice %get3A_107 {offsets = [3], sizes = [1], strides = [1]} : vector<16xf32> to vector<1xf32>
    %squeeze3A_124 = vector.extract %slice3A_123[0] : f32 from vector<1xf32>
    %broadcast_in_dim3A_125 = vector.broadcast %squeeze3A_124 : f32 to vector<16xf32>
    %swap3A_126 = arith.constant 304 : index
    %swap3A_127 = tpu.vector_load %arg12[%swap3A_126] {strides = array<i32>} : memref<1024xf32, #tpu.memory_space<vmem>>, vector<16xf32>,
    tpu.vector_store %arg12[%swap3A_126], %broadcast_in_dim3A_125 {strides = array<i32>} : memref<1024xf32, #tpu.memory_space<vmem>>, vector<16xf32>,
    %slice3A_128 = vector.extract_strided_slice %get3A_107 {offsets = [4], sizes = [1], strides = [1]} : vector<16xf32> to vector<1xf32>
    %squeeze3A_129 = vector.extract %slice3A_128[0] : f32 from vector<1xf32>
    %broadcast_in_dim3A_130 = vector.broadcast %squeeze3A_129 : f32 to vector<16xf32>
    %swap3A_131 = arith.constant 320 : index
    %swap3A_132 = tpu.vector_load %arg12[%swap3A_131] {strides = array<i32>} : memref<1024xf32, #tpu.memory_space<vmem>>, vector<16xf32>,
    tpu.vector_store %arg12[%swap3A_131], %broadcast_in_dim3A_130 {strides = array<i32>} : memref<1024xf32, #tpu.memory_space<vmem>>, vector<16xf32>,
    %slice3A_133 = vector.extract_strided_slice %get3A_107 {offsets = [5], sizes = [1], strides = [1]} : vector<16xf32> to vector<1xf32>
    %squeeze3A_134 = vector.extract %slice3A_133[0] : f32 from vector<1xf32>
    %broadcast_in_dim3A_135 = vector.broadcast %squeeze3A_134 : f32 to vector<16xf32>
    %swap3A_136 = arith.constant 336 : index
    %swap3A_137 = tpu.vector_load %arg12[%swap3A_136] {strides = array<i32>} : memref<1024xf32, #tpu.memory_space<vmem>>, vector<16xf32>,
    tpu.vector_store %arg12[%swap3A_136], %broadcast_in_dim3A_135 {strides = array<i32>} : memref<1024xf32, #tpu.memory_space<vmem>>, vector<16xf32>,
    %slice3A_138 = vector.extract_strided_slice %get3A_107 {offsets = [6], sizes = [1], strides = [1]} : vector<16xf32> to vector<1xf32>
    %squeeze3A_139 = vector.extract %slice3A_138[0] : f32 from vector<1xf32>
    %broadcast_in_dim3A_140 = vector.broadcast %squeeze3A_139 : f32 to vector<16xf32>
    %swap3A_141 = arith.constant 352 : index
    %swap3A_142 = tpu.vector_load %arg12[%swap3A_141] {strides = array<i32>} : memref<1024xf32, #tpu.memory_space<vmem>>, vector<16xf32>,
    tpu.vector_store %arg12[%swap3A_141], %broadcast_in_dim3A_140 {strides = array<i32>} : memref<1024xf32, #tpu.memory_space<vmem>>, vector<16xf32>,
    %slice3A_143 = vector.extract_strided_slice %get3A_107 {offsets = [7], sizes = [1], strides = [1]} : vector<16xf32> to vector<1xf32>
    %squeeze3A_144 = vector.extract %slice3A_143[0] : f32 from vector<1xf32>
    %broadcast_in_dim3A_145 = vector.broadcast %squeeze3A_144 : f32 to vector<16xf32>
    %swap3A_146 = arith.constant 368 : index
    %swap3A_147 = tpu.vector_load %arg12[%swap3A_146] {strides = array<i32>} : memref<1024xf32, #tpu.memory_space<vmem>>, vector<16xf32>,
    tpu.vector_store %arg12[%swap3A_146], %broadcast_in_dim3A_145 {strides = array<i32>} : memref<1024xf32, #tpu.memory_space<vmem>>, vector<16xf32>,
    %slice3A_148 = vector.extract_strided_slice %get3A_107 {offsets = [8], sizes = [1], strides = [1]} : vector<16xf32> to vector<1xf32>
    %squeeze3A_149 = vector.extract %slice3A_148[0] : f32 from vector<1xf32>
    %broadcast_in_dim3A_150 = vector.broadcast %squeeze3A_149 : f32 to vector<16xf32>
    %swap3A_151 = arith.constant 384 : index
    %swap3A_152 = tpu.vector_load %arg12[%swap3A_151] {strides = array<i32>} : memref<1024xf32, #tpu.memory_space<vmem>>, vector<16xf32>,
    tpu.vector_store %arg12[%swap3A_151], %broadcast_in_dim3A_150 {strides = array<i32>} : memref<1024xf32, #tpu.memory_space<vmem>>, vector<16xf32>,
    %slice3A_153 = vector.extract_strided_slice %get3A_107 {offsets = [9], sizes = [1], strides = [1]} : vector<16xf32> to vector<1xf32>
    %squeeze3A_154 = vector.extract %slice3A_153[0] : f32 from vector<1xf32>
    %broadcast_in_dim3A_155 = vector.broadcast %squeeze3A_154 : f32 to vector<16xf32>
    %swap3A_156 = arith.constant 400 : index
    %swap3A_157 = tpu.vector_load %arg12[%swap3A_156] {strides = array<i32>} : memref<1024xf32, #tpu.memory_space<vmem>>, vector<16xf32>,
    tpu.vector_store %arg12[%swap3A_156], %broadcast_in_dim3A_155 {strides = array<i32>} : memref<1024xf32, #tpu.memory_space<vmem>>, vector<16xf32>,
    %slice3A_158 = vector.extract_strided_slice %get3A_107 {offsets = [10], sizes = [1], strides = [1]} : vector<16xf32> to vector<1xf32>
    %squeeze3A_159 = vector.extract %slice3A_158[0] : f32 from vector<1xf32>
    %broadcast_in_dim3A_160 = vector.broadcast %squeeze3A_159 : f32 to vector<16xf32>
    %swap3A_161 = arith.constant 416 : index
    %swap3A_162 = tpu.vector_load %arg12[%swap3A_161] {strides = array<i32>} : memref<1024xf32, #tpu.memory_space<vmem>>, vector<16xf32>,
    tpu.vector_store %arg12[%swap3A_161], %broadcast_in_dim3A_160 {strides = array<i32>} : memref<1024xf32, #tpu.memory_space<vmem>>, vector<16xf32>,
    %slice3A_163 = vector.extract_strided_slice %get3A_107 {offsets = [11], sizes = [1], strides = [1]} : vector<16xf32> to vector<1xf32>
    %squeeze3A_164 = vector.extract %slice3A_163[0] : f32 from vector<1xf32>
    %broadcast_in_dim3A_165 = vector.broadcast %squeeze3A_164 : f32 to vector<16xf32>
    %swap3A_166 = arith.constant 432 : index
    %swap3A_167 = tpu.vector_load %arg12[%swap3A_166] {strides = array<i32>} : memref<1024xf32, #tpu.memory_space<vmem>>, vector<16xf32>,
    tpu.vector_store %arg12[%swap3A_166], %broadcast_in_dim3A_165 {strides = array<i32>} : memref<1024xf32, #tpu.memory_space<vmem>>, vector<16xf32>,
    %slice3A_168 = vector.extract_strided_slice %get3A_107 {offsets = [12], sizes = [1], strides = [1]} : vector<16xf32> to vector<1xf32>
    %squeeze3A_169 = vector.extract %slice3A_168[0] : f32 from vector<1xf32>
    %broadcast_in_dim3A_170 = vector.broadcast %squeeze3A_169 : f32 to vector<16xf32>
    %swap3A_171 = arith.constant 448 : index
    %swap3A_172 = tpu.vector_load %arg12[%swap3A_171] {strides = array<i32>} : memref<1024xf32, #tpu.memory_space<vmem>>, vector<16xf32>,
    tpu.vector_store %arg12[%swap3A_171], %broadcast_in_dim3A_170 {strides = array<i32>} : memref<1024xf32, #tpu.memory_space<vmem>>, vector<16xf32>,
    %slice3A_173 = vector.extract_strided_slice %get3A_107 {offsets = [13], sizes = [1], strides = [1]} : vector<16xf32> to vector<1xf32>
    %squeeze3A_174 = vector.extract %slice3A_173[0] : f32 from vector<1xf32>
    %broadcast_in_dim3A_175 = vector.broadcast %squeeze3A_174 : f32 to vector<16xf32>
    %swap3A_176 = arith.constant 464 : index
    %swap3A_177 = tpu.vector_load %arg12[%swap3A_176] {strides = array<i32>} : memref<1024xf32, #tpu.memory_space<vmem>>, vector<16xf32>,
    tpu.vector_store %arg12[%swap3A_176], %broadcast_in_dim3A_175 {strides = array<i32>} : memref<1024xf32, #tpu.memory_space<vmem>>, vector<16xf32>,
    %slice3A_178 = vector.extract_strided_slice %get3A_107 {offsets = [14], sizes = [1], strides = [1]} : vector<16xf32> to vector<1xf32>
    %squeeze3A_179 = vector.extract %slice3A_178[0] : f32 from vector<1xf32>
    %broadcast_in_dim3A_180 = vector.broadcast %squeeze3A_179 : f32 to vector<16xf32>
    %swap3A_181 = arith.constant 480 : index
    %swap3A_182 = tpu.vector_load %arg12[%swap3A_181] {strides = array<i32>} : memref<1024xf32, #tpu.memory_space<vmem>>, vector<16xf32>,
    tpu.vector_store %arg12[%swap3A_181], %broadcast_in_dim3A_180 {strides = array<i32>} : memref<1024xf32, #tpu.memory_space<vmem>>, vector<16xf32>,
    %slice3A_183 = vector.extract_strided_slice %get3A_107 {offsets = [15], sizes = [1], strides = [1]} : vector<16xf32> to vector<1xf32>
    %squeeze3A_184 = vector.extract %slice3A_183[0] : f32 from vector<1xf32>
    %broadcast_in_dim3A_185 = vector.broadcast %squeeze3A_184 : f32 to vector<16xf32>
    %swap3A_186 = arith.constant 496 : index
    %swap3A_187 = tpu.vector_load %arg12[%swap3A_186] {strides = array<i32>} : memref<1024xf32, #tpu.memory_space<vmem>>, vector<16xf32>,
    tpu.vector_store %arg12[%swap3A_186], %broadcast_in_dim3A_185 {strides = array<i32>} : memref<1024xf32, #tpu.memory_space<vmem>>, vector<16xf32>,
    %get3A_188 = arith.constant 32 : index
    %get3A_189 = tpu.vector_load %arg10[%get3A_188] {strides = array<i32>} : memref<64xf32, #tpu.memory_space<vmem>>, vector<16xf32>,
    %slice3A_190 = vector.extract_strided_slice %get3A_189 {offsets = [0], sizes = [1], strides = [1]} : vector<16xf32> to vector<1xf32>
    %squeeze3A_191 = vector.extract %slice3A_190[0] : f32 from vector<1xf32>
    %broadcast_in_dim3A_192 = vector.broadcast %squeeze3A_191 : f32 to vector<16xf32>
    %swap3A_193 = arith.constant 512 : index
    %swap3A_194 = tpu.vector_load %arg12[%swap3A_193] {strides = array<i32>} : memref<1024xf32, #tpu.memory_space<vmem>>, vector<16xf32>,
    tpu.vector_store %arg12[%swap3A_193], %broadcast_in_dim3A_192 {strides = array<i32>} : memref<1024xf32, #tpu.memory_space<vmem>>, vector<16xf32>,
    %slice3A_195 = vector.extract_strided_slice %get3A_189 {offsets = [1], sizes = [1], strides = [1]} : vector<16xf32> to vector<1xf32>
    %squeeze3A_196 = vector.extract %slice3A_195[0] : f32 from vector<1xf32>
    %broadcast_in_dim3A_197 = vector.broadcast %squeeze3A_196 : f32 to vector<16xf32>
    %swap3A_198 = arith.constant 528 : index
    %swap3A_199 = tpu.vector_load %arg12[%swap3A_198] {strides = array<i32>} : memref<1024xf32, #tpu.memory_space<vmem>>, vector<16xf32>,
    tpu.vector_store %arg12[%swap3A_198], %broadcast_in_dim3A_197 {strides = array<i32>} : memref<1024xf32, #tpu.memory_space<vmem>>, vector<16xf32>,
    %slice3A_200 = vector.extract_strided_slice %get3A_189 {offsets = [2], sizes = [1], strides = [1]} : vector<16xf32> to vector<1xf32>
    %squeeze3A_201 = vector.extract %slice3A_200[0] : f32 from vector<1xf32>
    %broadcast_in_dim3A_202 = vector.broadcast %squeeze3A_201 : f32 to vector<16xf32>
    %swap3A_203 = arith.constant 544 : index
    %swap3A_204 = tpu.vector_load %arg12[%swap3A_203] {strides = array<i32>} : memref<1024xf32, #tpu.memory_space<vmem>>, vector<16xf32>,
    tpu.vector_store %arg12[%swap3A_203], %broadcast_in_dim3A_202 {strides = array<i32>} : memref<1024xf32, #tpu.memory_space<vmem>>, vector<16xf32>,
    %slice3A_205 = vector.extract_strided_slice %get3A_189 {offsets = [3], sizes = [1], strides = [1]} : vector<16xf32> to vector<1xf32>
    %squeeze3A_206 = vector.extract %slice3A_205[0] : f32 from vector<1xf32>
    %broadcast_in_dim3A_207 = vector.broadcast %squeeze3A_206 : f32 to vector<16xf32>
    %swap3A_208 = arith.constant 560 : index
    %swap3A_209 = tpu.vector_load %arg12[%swap3A_208] {strides = array<i32>} : memref<1024xf32, #tpu.memory_space<vmem>>, vector<16xf32>,
    tpu.vector_store %arg12[%swap3A_208], %broadcast_in_dim3A_207 {strides = array<i32>} : memref<1024xf32, #tpu.memory_space<vmem>>, vector<16xf32>,
    %slice3A_210 = vector.extract_strided_slice %get3A_189 {offsets = [4], sizes = [1], strides = [1]} : vector<16xf32> to vector<1xf32>
    %squeeze3A_211 = vector.extract %slice3A_210[0] : f32 from vector<1xf32>
    %broadcast_in_dim3A_212 = vector.broadcast %squeeze3A_211 : f32 to vector<16xf32>
    %swap3A_213 = arith.constant 576 : index
    %swap3A_214 = tpu.vector_load %arg12[%swap3A_213] {strides = array<i32>} : memref<1024xf32, #tpu.memory_space<vmem>>, vector<16xf32>,
    tpu.vector_store %arg12[%swap3A_213], %broadcast_in_dim3A_212 {strides = array<i32>} : memref<1024xf32, #tpu.memory_space<vmem>>, vector<16xf32>,
    %slice3A_215 = vector.extract_strided_slice %get3A_189 {offsets = [5], sizes = [1], strides = [1]} : vector<16xf32> to vector<1xf32>
    %squeeze3A_216 = vector.extract %slice3A_215[0] : f32 from vector<1xf32>
    %broadcast_in_dim3A_217 = vector.broadcast %squeeze3A_216 : f32 to vector<16xf32>
    %swap3A_218 = arith.constant 592 : index
    %swap3A_219 = tpu.vector_load %arg12[%swap3A_218] {strides = array<i32>} : memref<1024xf32, #tpu.memory_space<vmem>>, vector<16xf32>,
    tpu.vector_store %arg12[%swap3A_218], %broadcast_in_dim3A_217 {strides = array<i32>} : memref<1024xf32, #tpu.memory_space<vmem>>, vector<16xf32>,
    %slice3A_220 = vector.extract_strided_slice %get3A_189 {offsets = [6], sizes = [1], strides = [1]} : vector<16xf32> to vector<1xf32>
    %squeeze3A_221 = vector.extract %slice3A_220[0] : f32 from vector<1xf32>
    %broadcast_in_dim3A_222 = vector.broadcast %squeeze3A_221 : f32 to vector<16xf32>
    %swap3A_223 = arith.constant 608 : index
    %swap3A_224 = tpu.vector_load %arg12[%swap3A_223] {strides = array<i32>} : memref<1024xf32, #tpu.memory_space<vmem>>, vector<16xf32>,
    tpu.vector_store %arg12[%swap3A_223], %broadcast_in_dim3A_222 {strides = array<i32>} : memref<1024xf32, #tpu.memory_space<vmem>>, vector<16xf32>,
    %slice3A_225 = vector.extract_strided_slice %get3A_189 {offsets = [7], sizes = [1], strides = [1]} : vector<16xf32> to vector<1xf32>
    %squeeze3A_226 = vector.extract %slice3A_225[0] : f32 from vector<1xf32>
    %broadcast_in_dim3A_227 = vector.broadcast %squeeze3A_226 : f32 to vector<16xf32>
    %swap3A_228 = arith.constant 624 : index
    %swap3A_229 = tpu.vector_load %arg12[%swap3A_228] {strides = array<i32>} : memref<1024xf32, #tpu.memory_space<vmem>>, vector<16xf32>,
    tpu.vector_store %arg12[%swap3A_228], %broadcast_in_dim3A_227 {strides = array<i32>} : memref<1024xf32, #tpu.memory_space<vmem>>, vector<16xf32>,
    %slice3A_230 = vector.extract_strided_slice %get3A_189 {offsets = [8], sizes = [1], strides = [1]} : vector<16xf32> to vector<1xf32>
    %squeeze3A_231 = vector.extract %slice3A_230[0] : f32 from vector<1xf32>
    %broadcast_in_dim3A_232 = vector.broadcast %squeeze3A_231 : f32 to vector<16xf32>
    %swap3A_233 = arith.constant 640 : index
    %swap3A_234 = tpu.vector_load %arg12[%swap3A_233] {strides = array<i32>} : memref<1024xf32, #tpu.memory_space<vmem>>, vector<16xf32>,
    tpu.vector_store %arg12[%swap3A_233], %broadcast_in_dim3A_232 {strides = array<i32>} : memref<1024xf32, #tpu.memory_space<vmem>>, vector<16xf32>,
    %slice3A_235 = vector.extract_strided_slice %get3A_189 {offsets = [9], sizes = [1], strides = [1]} : vector<16xf32> to vector<1xf32>
    %squeeze3A_236 = vector.extract %slice3A_235[0] : f32 from vector<1xf32>
    %broadcast_in_dim3A_237 = vector.broadcast %squeeze3A_236 : f32 to vector<16xf32>
    %swap3A_238 = arith.constant 656 : index
    %swap3A_239 = tpu.vector_load %arg12[%swap3A_238] {strides = array<i32>} : memref<1024xf32, #tpu.memory_space<vmem>>, vector<16xf32>,
    tpu.vector_store %arg12[%swap3A_238], %broadcast_in_dim3A_237 {strides = array<i32>} : memref<1024xf32, #tpu.memory_space<vmem>>, vector<16xf32>,
    %slice3A_240 = vector.extract_strided_slice %get3A_189 {offsets = [10], sizes = [1], strides = [1]} : vector<16xf32> to vector<1xf32>
    %squeeze3A_241 = vector.extract %slice3A_240[0] : f32 from vector<1xf32>
    %broadcast_in_dim3A_242 = vector.broadcast %squeeze3A_241 : f32 to vector<16xf32>
    %swap3A_243 = arith.constant 672 : index
    %swap3A_244 = tpu.vector_load %arg12[%swap3A_243] {strides = array<i32>} : memref<1024xf32, #tpu.memory_space<vmem>>, vector<16xf32>,
    tpu.vector_store %arg12[%swap3A_243], %broadcast_in_dim3A_242 {strides = array<i32>} : memref<1024xf32, #tpu.memory_space<vmem>>, vector<16xf32>,
    %slice3A_245 = vector.extract_strided_slice %get3A_189 {offsets = [11], sizes = [1], strides = [1]} : vector<16xf32> to vector<1xf32>
    %squeeze3A_246 = vector.extract %slice3A_245[0] : f32 from vector<1xf32>
    %broadcast_in_dim3A_247 = vector.broadcast %squeeze3A_246 : f32 to vector<16xf32>
    %swap3A_248 = arith.constant 688 : index
    %swap3A_249 = tpu.vector_load %arg12[%swap3A_248] {strides = array<i32>} : memref<1024xf32, #tpu.memory_space<vmem>>, vector<16xf32>,
    tpu.vector_store %arg12[%swap3A_248], %broadcast_in_dim3A_247 {strides = array<i32>} : memref<1024xf32, #tpu.memory_space<vmem>>, vector<16xf32>,
    %slice3A_250 = vector.extract_strided_slice %get3A_189 {offsets = [12], sizes = [1], strides = [1]} : vector<16xf32> to vector<1xf32>
    %squeeze3A_251 = vector.extract %slice3A_250[0] : f32 from vector<1xf32>
    %broadcast_in_dim3A_252 = vector.broadcast %squeeze3A_251 : f32 to vector<16xf32>
    %swap3A_253 = arith.constant 704 : index
    %swap3A_254 = tpu.vector_load %arg12[%swap3A_253] {strides = array<i32>} : memref<1024xf32, #tpu.memory_space<vmem>>, vector<16xf32>,
    tpu.vector_store %arg12[%swap3A_253], %broadcast_in_dim3A_252 {strides = array<i32>} : memref<1024xf32, #tpu.memory_space<vmem>>, vector<16xf32>,
    %slice3A_255 = vector.extract_strided_slice %get3A_189 {offsets = [13], sizes = [1], strides = [1]} : vector<16xf32> to vector<1xf32>
    %squeeze3A_256 = vector.extract %slice3A_255[0] : f32 from vector<1xf32>
    %broadcast_in_dim3A_257 = vector.broadcast %squeeze3A_256 : f32 to vector<16xf32>
    %swap3A_258 = arith.constant 720 : index
    %swap3A_259 = tpu.vector_load %arg12[%swap3A_258] {strides = array<i32>} : memref<1024xf32, #tpu.memory_space<vmem>>, vector<16xf32>,
    tpu.vector_store %arg12[%swap3A_258], %broadcast_in_dim3A_257 {strides = array<i32>} : memref<1024xf32, #tpu.memory_space<vmem>>, vector<16xf32>,
    %slice3A_260 = vector.extract_strided_slice %get3A_189 {offsets = [14], sizes = [1], strides = [1]} : vector<16xf32> to vector<1xf32>
    %squeeze3A_261 = vector.extract %slice3A_260[0] : f32 from vector<1xf32>
    %broadcast_in_dim3A_262 = vector.broadcast %squeeze3A_261 : f32 to vector<16xf32>
    %swap3A_263 = arith.constant 736 : index
    %swap3A_264 = tpu.vector_load %arg12[%swap3A_263] {strides = array<i32>} : memref<1024xf32, #tpu.memory_space<vmem>>, vector<16xf32>,
    tpu.vector_store %arg12[%swap3A_263], %broadcast_in_dim3A_262 {strides = array<i32>} : memref<1024xf32, #tpu.memory_space<vmem>>, vector<16xf32>,
    %slice3A_265 = vector.extract_strided_slice %get3A_189 {offsets = [15], sizes = [1], strides = [1]} : vector<16xf32> to vector<1xf32>
    %squeeze3A_266 = vector.extract %slice3A_265[0] : f32 from vector<1xf32>
    %broadcast_in_dim3A_267 = vector.broadcast %squeeze3A_266 : f32 to vector<16xf32>
    %swap3A_268 = arith.constant 752 : index
    %swap3A_269 = tpu.vector_load %arg12[%swap3A_268] {strides = array<i32>} : memref<1024xf32, #tpu.memory_space<vmem>>, vector<16xf32>,
    tpu.vector_store %arg12[%swap3A_268], %broadcast_in_dim3A_267 {strides = array<i32>} : memref<1024xf32, #tpu.memory_space<vmem>>, vector<16xf32>,
    %get3A_270 = arith.constant 48 : index
    %get3A_271 = tpu.vector_load %arg10[%get3A_270] {strides = array<i32>} : memref<64xf32, #tpu.memory_space<vmem>>, vector<16xf32>,
    %slice3A_272 = vector.extract_strided_slice %get3A_271 {offsets = [0], sizes = [1], strides = [1]} : vector<16xf32> to vector<1xf32>
    %squeeze3A_273 = vector.extract %slice3A_272[0] : f32 from vector<1xf32>
    %broadcast_in_dim3A_274 = vector.broadcast %squeeze3A_273 : f32 to vector<16xf32>
    %swap3A_275 = arith.constant 768 : index
    %swap3A_276 = tpu.vector_load %arg12[%swap3A_275] {strides = array<i32>} : memref<1024xf32, #tpu.memory_space<vmem>>, vector<16xf32>,
    tpu.vector_store %arg12[%swap3A_275], %broadcast_in_dim3A_274 {strides = array<i32>} : memref<1024xf32, #tpu.memory_space<vmem>>, vector<16xf32>,
    %slice3A_277 = vector.extract_strided_slice %get3A_271 {offsets = [1], sizes = [1], strides = [1]} : vector<16xf32> to vector<1xf32>
    %squeeze3A_278 = vector.extract %slice3A_277[0] : f32 from vector<1xf32>
    %broadcast_in_dim3A_279 = vector.broadcast %squeeze3A_278 : f32 to vector<16xf32>
    %swap3A_280 = arith.constant 784 : index
    %swap3A_281 = tpu.vector_load %arg12[%swap3A_280] {strides = array<i32>} : memref<1024xf32, #tpu.memory_space<vmem>>, vector<16xf32>,
    tpu.vector_store %arg12[%swap3A_280], %broadcast_in_dim3A_279 {strides = array<i32>} : memref<1024xf32, #tpu.memory_space<vmem>>, vector<16xf32>,
    %slice3A_282 = vector.extract_strided_slice %get3A_271 {offsets = [2], sizes = [1], strides = [1]} : vector<16xf32> to vector<1xf32>
    %squeeze3A_283 = vector.extract %slice3A_282[0] : f32 from vector<1xf32>
    %broadcast_in_dim3A_284 = vector.broadcast %squeeze3A_283 : f32 to vector<16xf32>
    %swap3A_285 = arith.constant 800 : index
    %swap3A_286 = tpu.vector_load %arg12[%swap3A_285] {strides = array<i32>} : memref<1024xf32, #tpu.memory_space<vmem>>, vector<16xf32>,
    tpu.vector_store %arg12[%swap3A_285], %broadcast_in_dim3A_284 {strides = array<i32>} : memref<1024xf32, #tpu.memory_space<vmem>>, vector<16xf32>,
    %slice3A_287 = vector.extract_strided_slice %get3A_271 {offsets = [3], sizes = [1], strides = [1]} : vector<16xf32> to vector<1xf32>
    %squeeze3A_288 = vector.extract %slice3A_287[0] : f32 from vector<1xf32>
    %broadcast_in_dim3A_289 = vector.broadcast %squeeze3A_288 : f32 to vector<16xf32>
    %swap3A_290 = arith.constant 816 : index
    %swap3A_291 = tpu.vector_load %arg12[%swap3A_290] {strides = array<i32>} : memref<1024xf32, #tpu.memory_space<vmem>>, vector<16xf32>,
    tpu.vector_store %arg12[%swap3A_290], %broadcast_in_dim3A_289 {strides = array<i32>} : memref<1024xf32, #tpu.memory_space<vmem>>, vector<16xf32>,
    %slice3A_292 = vector.extract_strided_slice %get3A_271 {offsets = [4], sizes = [1], strides = [1]} : vector<16xf32> to vector<1xf32>
    %squeeze3A_293 = vector.extract %slice3A_292[0] : f32 from vector<1xf32>
    %broadcast_in_dim3A_294 = vector.broadcast %squeeze3A_293 : f32 to vector<16xf32>
    %swap3A_295 = arith.constant 832 : index
    %swap3A_296 = tpu.vector_load %arg12[%swap3A_295] {strides = array<i32>} : memref<1024xf32, #tpu.memory_space<vmem>>, vector<16xf32>,
    tpu.vector_store %arg12[%swap3A_295], %broadcast_in_dim3A_294 {strides = array<i32>} : memref<1024xf32, #tpu.memory_space<vmem>>, vector<16xf32>,
    %slice3A_297 = vector.extract_strided_slice %get3A_271 {offsets = [5], sizes = [1], strides = [1]} : vector<16xf32> to vector<1xf32>
    %squeeze3A_298 = vector.extract %slice3A_297[0] : f32 from vector<1xf32>
    %broadcast_in_dim3A_299 = vector.broadcast %squeeze3A_298 : f32 to vector<16xf32>
    %swap3A_300 = arith.constant 848 : index
    %swap3A_301 = tpu.vector_load %arg12[%swap3A_300] {strides = array<i32>} : memref<1024xf32, #tpu.memory_space<vmem>>, vector<16xf32>,
    tpu.vector_store %arg12[%swap3A_300], %broadcast_in_dim3A_299 {strides = array<i32>} : memref<1024xf32, #tpu.memory_space<vmem>>, vector<16xf32>,
    %slice3A_302 = vector.extract_strided_slice %get3A_271 {offsets = [6], sizes = [1], strides = [1]} : vector<16xf32> to vector<1xf32>
    %squeeze3A_303 = vector.extract %slice3A_302[0] : f32 from vector<1xf32>
    %broadcast_in_dim3A_304 = vector.broadcast %squeeze3A_303 : f32 to vector<16xf32>
    %swap3A_305 = arith.constant 864 : index
    %swap3A_306 = tpu.vector_load %arg12[%swap3A_305] {strides = array<i32>} : memref<1024xf32, #tpu.memory_space<vmem>>, vector<16xf32>,
    tpu.vector_store %arg12[%swap3A_305], %broadcast_in_dim3A_304 {strides = array<i32>} : memref<1024xf32, #tpu.memory_space<vmem>>, vector<16xf32>,
    %slice3A_307 = vector.extract_strided_slice %get3A_271 {offsets = [7], sizes = [1], strides = [1]} : vector<16xf32> to vector<1xf32>
    %squeeze3A_308 = vector.extract %slice3A_307[0] : f32 from vector<1xf32>
    %broadcast_in_dim3A_309 = vector.broadcast %squeeze3A_308 : f32 to vector<16xf32>
    %swap3A_310 = arith.constant 880 : index
    %swap3A_311 = tpu.vector_load %arg12[%swap3A_310] {strides = array<i32>} : memref<1024xf32, #tpu.memory_space<vmem>>, vector<16xf32>,
    tpu.vector_store %arg12[%swap3A_310], %broadcast_in_dim3A_309 {strides = array<i32>} : memref<1024xf32, #tpu.memory_space<vmem>>, vector<16xf32>,
    %slice3A_312 = vector.extract_strided_slice %get3A_271 {offsets = [8], sizes = [1], strides = [1]} : vector<16xf32> to vector<1xf32>
    %squeeze3A_313 = vector.extract %slice3A_312[0] : f32 from vector<1xf32>
    %broadcast_in_dim3A_314 = vector.broadcast %squeeze3A_313 : f32 to vector<16xf32>
    %swap3A_315 = arith.constant 896 : index
    %swap3A_316 = tpu.vector_load %arg12[%swap3A_315] {strides = array<i32>} : memref<1024xf32, #tpu.memory_space<vmem>>, vector<16xf32>,
    tpu.vector_store %arg12[%swap3A_315], %broadcast_in_dim3A_314 {strides = array<i32>} : memref<1024xf32, #tpu.memory_space<vmem>>, vector<16xf32>,
    %slice3A_317 = vector.extract_strided_slice %get3A_271 {offsets = [9], sizes = [1], strides = [1]} : vector<16xf32> to vector<1xf32>
    %squeeze3A_318 = vector.extract %slice3A_317[0] : f32 from vector<1xf32>
    %broadcast_in_dim3A_319 = vector.broadcast %squeeze3A_318 : f32 to vector<16xf32>
    %swap3A_320 = arith.constant 912 : index
    %swap3A_321 = tpu.vector_load %arg12[%swap3A_320] {strides = array<i32>} : memref<1024xf32, #tpu.memory_space<vmem>>, vector<16xf32>,
    tpu.vector_store %arg12[%swap3A_320], %broadcast_in_dim3A_319 {strides = array<i32>} : memref<1024xf32, #tpu.memory_space<vmem>>, vector<16xf32>,
    %slice3A_322 = vector.extract_strided_slice %get3A_271 {offsets = [10], sizes = [1], strides = [1]} : vector<16xf32> to vector<1xf32>
    %squeeze3A_323 = vector.extract %slice3A_322[0] : f32 from vector<1xf32>
    %broadcast_in_dim3A_324 = vector.broadcast %squeeze3A_323 : f32 to vector<16xf32>
    %swap3A_325 = arith.constant 928 : index
    %swap3A_326 = tpu.vector_load %arg12[%swap3A_325] {strides = array<i32>} : memref<1024xf32, #tpu.memory_space<vmem>>, vector<16xf32>,
    tpu.vector_store %arg12[%swap3A_325], %broadcast_in_dim3A_324 {strides = array<i32>} : memref<1024xf32, #tpu.memory_space<vmem>>, vector<16xf32>,
    %slice3A_327 = vector.extract_strided_slice %get3A_271 {offsets = [11], sizes = [1], strides = [1]} : vector<16xf32> to vector<1xf32>
    %squeeze3A_328 = vector.extract %slice3A_327[0] : f32 from vector<1xf32>
    %broadcast_in_dim3A_329 = vector.broadcast %squeeze3A_328 : f32 to vector<16xf32>
    %swap3A_330 = arith.constant 944 : index
    %swap3A_331 = tpu.vector_load %arg12[%swap3A_330] {strides = array<i32>} : memref<1024xf32, #tpu.memory_space<vmem>>, vector<16xf32>,
    tpu.vector_store %arg12[%swap3A_330], %broadcast_in_dim3A_329 {strides = array<i32>} : memref<1024xf32, #tpu.memory_space<vmem>>, vector<16xf32>,
    %slice3A_332 = vector.extract_strided_slice %get3A_271 {offsets = [12], sizes = [1], strides = [1]} : vector<16xf32> to vector<1xf32>
    %squeeze3A_333 = vector.extract %slice3A_332[0] : f32 from vector<1xf32>
    %broadcast_in_dim3A_334 = vector.broadcast %squeeze3A_333 : f32 to vector<16xf32>
    %swap3A_335 = arith.constant 960 : index
    %swap3A_336 = tpu.vector_load %arg12[%swap3A_335] {strides = array<i32>} : memref<1024xf32, #tpu.memory_space<vmem>>, vector<16xf32>,
    tpu.vector_store %arg12[%swap3A_335], %broadcast_in_dim3A_334 {strides = array<i32>} : memref<1024xf32, #tpu.memory_space<vmem>>, vector<16xf32>,
    %slice3A_337 = vector.extract_strided_slice %get3A_271 {offsets = [13], sizes = [1], strides = [1]} : vector<16xf32> to vector<1xf32>
    %squeeze3A_338 = vector.extract %slice3A_337[0] : f32 from vector<1xf32>
    %broadcast_in_dim3A_339 = vector.broadcast %squeeze3A_338 : f32 to vector<16xf32>
    %swap3A_340 = arith.constant 976 : index
    %swap3A_341 = tpu.vector_load %arg12[%swap3A_340] {strides = array<i32>} : memref<1024xf32, #tpu.memory_space<vmem>>, vector<16xf32>,
    tpu.vector_store %arg12[%swap3A_340], %broadcast_in_dim3A_339 {strides = array<i32>} : memref<1024xf32, #tpu.memory_space<vmem>>, vector<16xf32>,
    %slice3A_342 = vector.extract_strided_slice %get3A_271 {offsets = [14], sizes = [1], strides = [1]} : vector<16xf32> to vector<1xf32>
    %squeeze3A_343 = vector.extract %slice3A_342[0] : f32 from vector<1xf32>
    %broadcast_in_dim3A_344 = vector.broadcast %squeeze3A_343 : f32 to vector<16xf32>
    %swap3A_345 = arith.constant 992 : index
    %swap3A_346 = tpu.vector_load %arg12[%swap3A_345] {strides = array<i32>} : memref<1024xf32, #tpu.memory_space<vmem>>, vector<16xf32>,
    tpu.vector_store %arg12[%swap3A_345], %broadcast_in_dim3A_344 {strides = array<i32>} : memref<1024xf32, #tpu.memory_space<vmem>>, vector<16xf32>,
    %slice3A_347 = vector.extract_strided_slice %get3A_271 {offsets = [15], sizes = [1], strides = [1]} : vector<16xf32> to vector<1xf32>
    %squeeze3A_348 = vector.extract %slice3A_347[0] : f32 from vector<1xf32>
    %broadcast_in_dim3A_349 = vector.broadcast %squeeze3A_348 : f32 to vector<16xf32>
    %swap3A_350 = arith.constant 1008 : index
    %swap3A_351 = tpu.vector_load %arg12[%swap3A_350] {strides = array<i32>} : memref<1024xf32, #tpu.memory_space<vmem>>, vector<16xf32>,
    tpu.vector_store %arg12[%swap3A_350], %broadcast_in_dim3A_349 {strides = array<i32>} : memref<1024xf32, #tpu.memory_space<vmem>>, vector<16xf32>,
    %scan3A_352 = arith.constant 0 : i32
    %scan3A_353 = arith.constant 0 : i32
    %scan3A_354 = arith.constant 25 : i32
    %scan3A_355 = arith.addi %scan3A_353, %scan3A_354 : i32
    %scan3A_356 = arith.constant 1 : i32
    %scan3A_357 = scf.for %scan3A_382 = %scan3A_353 to %scan3A_355 step %scan3A_356 iter_args(%scan3A_383 = %scan3A_352) -> (i32)  : i32 {
      %mul3A_384 = arith.constant 2 : i32
      %mul3A_385 = arith.muli %mul3A_384, %scan3A_382 : i32
      %add3A_386 = arith.constant 1 : i32
      %add3A_387 = arith.addi %mul3A_385, %add3A_386 : i32
      %mul3A_388 = arith.constant 50 : i32
      %mul3A_389 = arith.muli %add3A, %mul3A_388 : i32
      %add3A_390 = arith.addi %mul3A_389, %add3A_387 : i32
      %jit3A_391 = arith.constant 200 : i32
      %eq3A_392 = arith.constant 0 : i32
      %eq3A_393 = arith.cmpi eq, %jit3A_391, %eq3A_392 : i32
      %jit3A_394 = arith.constant 1 : i32
      %select_n3A_395 = arith.select %eq3A_393, %jit3A_394, %jit3A_391 : i32
      %rem3A_396 = arith.remsi %add3A_390, %select_n3A_395 : i32
      %ne3A_397 = arith.constant 0 : i32
      %ne3A_398 = arith.cmpi ne, %rem3A_396, %ne3A_397 : i32
      %lt3A_399 = arith.constant 0 : i32
      %lt3A_400 = arith.cmpi slt, %rem3A_396, %lt3A_399 : i32
      %lt3A_401 = arith.constant 0 : i32
      %lt3A_402 = arith.cmpi slt, %select_n3A_395, %lt3A_401 : i32
      %ne3A_403 = arith.xori %lt3A_400, %lt3A_402 : i1
      %and3A_404 = arith.andi %ne3A_403, %ne3A_398 : i1
      %add3A_405 = arith.addi %rem3A_396, %select_n3A_395 : i32
      %select_n3A_406 = arith.select %and3A_404, %add3A_405, %rem3A_396 : i32
      %jit3A_407 = arith.constant 200 : i32
      %div3A = arith.divsi %add3A_390, %jit3A_407 : i32
      %sign3A = arith.constant 0 : i32
      %sign3A_408 = arith.cmpi sgt, %add3A_390, %sign3A : i32
      %sign3A_409 = arith.extui %sign3A_408 : i1 to i32
      %sign3A_410 = arith.constant 0 : i32
      %sign3A_411 = arith.cmpi slt, %add3A_390, %sign3A_410 : i32
      %sign3A_412 = arith.extui %sign3A_411 : i1 to i32
      %sign3A_413 = arith.subi %sign3A_409, %sign3A_412 : i32
      %sign3A_414 = arith.constant 0 : i32
      %sign3A_415 = arith.cmpi sgt, %jit3A_407, %sign3A_414 : i32
      %sign3A_416 = arith.extui %sign3A_415 : i1 to i32
      %sign3A_417 = arith.constant 0 : i32
      %sign3A_418 = arith.cmpi slt, %jit3A_407, %sign3A_417 : i32
      %sign3A_419 = arith.extui %sign3A_418 : i1 to i32
      %sign3A_420 = arith.subi %sign3A_416, %sign3A_419 : i32
      %ne3A_421 = arith.cmpi ne, %sign3A_413, %sign3A_420 : i32
      %rem3A_422 = arith.remsi %add3A_390, %jit3A_407 : i32
      %ne3A_423 = arith.constant 0 : i32
      %ne3A_424 = arith.cmpi ne, %rem3A_422, %ne3A_423 : i32
      %and3A_425 = arith.andi %ne3A_421, %ne3A_424 : i1
      %sub3A = arith.constant 1 : i32
      %sub3A_426 = arith.subi %div3A, %sub3A : i32
      %select_n3A_427 = arith.select %and3A_425, %sub3A_426, %div3A : i32
      %dma_start3A_428 = arith.constant 0 : i32
      %dma_start3A_429 = tpu.memref_slice %arg2[%select_n3A_406, %dma_start3A_428] : memref<200x4096xi32, #tpu.memory_space<hbm>> -> memref<1x4096xi32, #tpu.memory_space<hbm>>
      %dma_start3A_430 = tpu.memref_squeeze %dma_start3A_429 : memref<1x4096xi32, #tpu.memory_space<hbm>> -> memref<4096xi32, #tpu.memory_space<hbm>>
      %dma_start3A_431 = arith.constant 0 : i32
      %dma_start3A_432 = tpu.memref_slice %arg2[%select_n3A_406, %dma_start3A_431] : memref<200x4096xi32, #tpu.memory_space<hbm>> -> memref<1x4096xi32, #tpu.memory_space<hbm>>
      %dma_start3A_433 = tpu.memref_squeeze %dma_start3A_432 : memref<1x4096xi32, #tpu.memory_space<hbm>> -> memref<4096xi32, #tpu.memory_space<hbm>>
      tpu.enqueue_dma source(%dma_start3A_433 : memref<4096xi32, #tpu.memory_space<hbm>>) target(%arg16 : memref<4096xi32, #tpu.memory_space<vmem>>) target_semaphore(%arg20 : memref<!tpu.dma_semaphore, #tpu.memory_space<semaphore_mem>>)
      %dma_start3A_434 = arith.constant 0 : i32
      %dma_start3A_435 = tpu.memref_slice %arg3[%select_n3A_406, %dma_start3A_434] : memref<200x4096xf32, #tpu.memory_space<hbm>> -> memref<1x4096xf32, #tpu.memory_space<hbm>>
      %dma_start3A_436 = tpu.memref_squeeze %dma_start3A_435 : memref<1x4096xf32, #tpu.memory_space<hbm>> -> memref<4096xf32, #tpu.memory_space<hbm>>
      %dma_start3A_437 = arith.constant 0 : i32
      %dma_start3A_438 = tpu.memref_slice %arg3[%select_n3A_406, %dma_start3A_437] : memref<200x4096xf32, #tpu.memory_space<hbm>> -> memref<1x4096xf32, #tpu.memory_space<hbm>>
      %dma_start3A_439 = tpu.memref_squeeze %dma_start3A_438 : memref<1x4096xf32, #tpu.memory_space<hbm>> -> memref<4096xf32, #tpu.memory_space<hbm>>
      tpu.enqueue_dma source(%dma_start3A_439 : memref<4096xf32, #tpu.memory_space<hbm>>) target(%arg17 : memref<4096xf32, #tpu.memory_space<vmem>>) target_semaphore(%arg20 : memref<!tpu.dma_semaphore, #tpu.memory_space<semaphore_mem>>)
      %dma_wait3A_440 = arith.constant 0 : i32
      %dma_wait3A_441 = arith.constant 0 : i32
      %dma_wait3A_442 = tpu.memref_slice %arg2[%dma_wait3A_440, %dma_wait3A_441] : memref<200x4096xi32, #tpu.memory_space<hbm>> -> memref<1x4096xi32, #tpu.memory_space<hbm>>
      %dma_wait3A_443 = tpu.memref_squeeze %dma_wait3A_442 : memref<1x4096xi32, #tpu.memory_space<hbm>> -> memref<4096xi32, #tpu.memory_space<hbm>>
      %dma_wait3A_444 = arith.constant 0 : i32
      %dma_wait3A_445 = tpu.memref_slice %arg2[%dma_wait3A_440, %dma_wait3A_444] : memref<200x4096xi32, #tpu.memory_space<hbm>> -> memref<1x4096xi32, #tpu.memory_space<hbm>>
      %dma_wait3A_446 = tpu.memref_squeeze %dma_wait3A_445 : memref<1x4096xi32, #tpu.memory_space<hbm>> -> memref<4096xi32, #tpu.memory_space<hbm>>
      tpu.wait_dma2 semaphore(%arg19 : memref<!tpu.dma_semaphore, #tpu.memory_space<semaphore_mem>>) src(%dma_wait3A_446 : memref<4096xi32, #tpu.memory_space<hbm>>) dst(%arg13 : memref<4096xi32, #tpu.memory_space<vmem>>)
      %dma_wait3A_447 = arith.constant 0 : i32
      %dma_wait3A_448 = arith.constant 0 : i32
      %dma_wait3A_449 = tpu.memref_slice %arg3[%dma_wait3A_447, %dma_wait3A_448] : memref<200x4096xf32, #tpu.memory_space<hbm>> -> memref<1x4096xf32, #tpu.memory_space<hbm>>
      %dma_wait3A_450 = tpu.memref_squeeze %dma_wait3A_449 : memref<1x4096xf32, #tpu.memory_space<hbm>> -> memref<4096xf32, #tpu.memory_space<hbm>>
      %dma_wait3A_451 = arith.constant 0 : i32
      %dma_wait3A_452 = tpu.memref_slice %arg3[%dma_wait3A_447, %dma_wait3A_451] : memref<200x4096xf32, #tpu.memory_space<hbm>> -> memref<1x4096xf32, #tpu.memory_space<hbm>>
      %dma_wait3A_453 = tpu.memref_squeeze %dma_wait3A_452 : memref<1x4096xf32, #tpu.memory_space<hbm>> -> memref<4096xf32, #tpu.memory_space<hbm>>
      tpu.wait_dma2 semaphore(%arg19 : memref<!tpu.dma_semaphore, #tpu.memory_space<semaphore_mem>>) src(%dma_wait3A_453 : memref<4096xf32, #tpu.memory_space<hbm>>) dst(%arg14 : memref<4096xf32, #tpu.memory_space<vmem>>)
      %gt3A = arith.constant 0 : i32
      %gt3A_454 = arith.cmpi sgt, %scan3A_382, %gt3A : i32
      %convert_element_type3A = arith.extui %gt3A_454 : i1 to i32
      %cond3A = arith.constant 0 : i32
      %cond3A_455 = arith.cmpi ne, %convert_element_type3A, %cond3A : i32
      scf.if %cond3A_455 {
        %dma_wait3A_780 = arith.constant 0 : i32
        %dma_wait3A_781 = arith.constant 0 : i32
        %dma_wait3A_782 = arith.constant 0 : i32
        %dma_wait3A_783 = arith.constant 0 : i32
        %dma_wait3A_784 = arith.constant 0 : i32
        %dma_wait3A_785 = tpu.memref_slice %arg7[%dma_wait3A_780, %dma_wait3A_781, %dma_wait3A_782, %dma_wait3A_783, %dma_wait3A_784] : memref<200x8x32x8x128xf32, #tpu.memory_space<hbm>> -> memref<1x1x32x8x128xf32, #tpu.memory_space<hbm>>
        %dma_wait3A_786 = tpu.memref_squeeze %dma_wait3A_785 : memref<1x1x32x8x128xf32, #tpu.memory_space<hbm>> -> memref<32x8x128xf32, #tpu.memory_space<hbm>>
        %dma_wait3A_787 = arith.constant 0 : i32
        %dma_wait3A_788 = arith.constant 0 : i32
        %dma_wait3A_789 = arith.constant 0 : i32
        %dma_wait3A_790 = tpu.memref_slice %arg7[%dma_wait3A_780, %dma_wait3A_781, %dma_wait3A_787, %dma_wait3A_788, %dma_wait3A_789] : memref<200x8x32x8x128xf32, #tpu.memory_space<hbm>> -> memref<1x1x32x8x128xf32, #tpu.memory_space<hbm>>
        %dma_wait3A_791 = tpu.memref_squeeze %dma_wait3A_790 : memref<1x1x32x8x128xf32, #tpu.memory_space<hbm>> -> memref<32x8x128xf32, #tpu.memory_space<hbm>>
        tpu.wait_dma2 semaphore(%arg21 : memref<!tpu.dma_semaphore, #tpu.memory_space<semaphore_mem>>) src(%dma_wait3A_791 : memref<32x8x128xf32, #tpu.memory_space<hbm>>) dst(%arg15 : memref<32x8x128xf32, #tpu.memory_space<vmem>>)
      } else {
      }
      %mul3A_456 = arith.constant 50 : i32
      %mul3A_457 = arith.muli %add3A, %mul3A_456 : i32
      %add3A_458 = arith.addi %mul3A_457, %mul3A_385 : i32
      %jit3A_459 = arith.constant 200 : i32
      %eq3A_460 = arith.constant 0 : i32
      %eq3A_461 = arith.cmpi eq, %jit3A_459, %eq3A_460 : i32
      %jit3A_462 = arith.constant 1 : i32
      %select_n3A_463 = arith.select %eq3A_461, %jit3A_462, %jit3A_459 : i32
      %rem3A_464 = arith.remsi %add3A_458, %select_n3A_463 : i32
      %ne3A_465 = arith.constant 0 : i32
      %ne3A_466 = arith.cmpi ne, %rem3A_464, %ne3A_465 : i32
      %lt3A_467 = arith.constant 0 : i32
      %lt3A_468 = arith.cmpi slt, %rem3A_464, %lt3A_467 : i32
      %lt3A_469 = arith.constant 0 : i32
      %lt3A_470 = arith.cmpi slt, %select_n3A_463, %lt3A_469 : i32
      %ne3A_471 = arith.xori %lt3A_468, %lt3A_470 : i1
      %and3A_472 = arith.andi %ne3A_471, %ne3A_466 : i1
      %add3A_473 = arith.addi %rem3A_464, %select_n3A_463 : i32
      %select_n3A_474 = arith.select %and3A_472, %add3A_473, %rem3A_464 : i32
      %jit3A_475 = arith.constant 200 : i32
      %div3A_476 = arith.divsi %add3A_458, %jit3A_475 : i32
      %sign3A_477 = arith.constant 0 : i32
      %sign3A_478 = arith.cmpi sgt, %add3A_458, %sign3A_477 : i32
      %sign3A_479 = arith.extui %sign3A_478 : i1 to i32
      %sign3A_480 = arith.constant 0 : i32
      %sign3A_481 = arith.cmpi slt, %add3A_458, %sign3A_480 : i32
      %sign3A_482 = arith.extui %sign3A_481 : i1 to i32
      %sign3A_483 = arith.subi %sign3A_479, %sign3A_482 : i32
      %sign3A_484 = arith.constant 0 : i32
      %sign3A_485 = arith.cmpi sgt, %jit3A_475, %sign3A_484 : i32
      %sign3A_486 = arith.extui %sign3A_485 : i1 to i32
      %sign3A_487 = arith.constant 0 : i32
      %sign3A_488 = arith.cmpi slt, %jit3A_475, %sign3A_487 : i32
      %sign3A_489 = arith.extui %sign3A_488 : i1 to i32
      %sign3A_490 = arith.subi %sign3A_486, %sign3A_489 : i32
      %ne3A_491 = arith.cmpi ne, %sign3A_483, %sign3A_490 : i32
      %rem3A_492 = arith.remsi %add3A_458, %jit3A_475 : i32
      %ne3A_493 = arith.constant 0 : i32
      %ne3A_494 = arith.cmpi ne, %rem3A_492, %ne3A_493 : i32
      %and3A_495 = arith.andi %ne3A_491, %ne3A_494 : i1
      %sub3A_496 = arith.constant 1 : i32
      %sub3A_497 = arith.subi %div3A_476, %sub3A_496 : i32
      %select_n3A_498 = arith.select %and3A_495, %sub3A_497, %div3A_476 : i32
      %mul3A_499 = arith.constant 8 : i32
      %mul3A_500 = arith.muli %select_n3A_498, %mul3A_499 : i32
      %add3A_501 = arith.constant 0 : i32
      %add3A_502 = arith.addi %mul3A_500, %add3A_501 : i32
      %mul3A_503 = arith.constant 16 : i32
      %mul3A_504 = arith.muli %add3A_502, %mul3A_503 : i32
      %get3A_505 = arith.index_cast %mul3A_504 : i32 to index
      %get3A_506 = tpu.vector_load %arg12[%get3A_505] {strides = array<i32>} : memref<1024xf32, #tpu.memory_space<vmem>>, vector<16xf32>,
      %add3A_507 = arith.constant 1 : i32
      %add3A_508 = arith.addi %mul3A_500, %add3A_507 : i32
      %mul3A_509 = arith.constant 16 : i32
      %mul3A_510 = arith.muli %add3A_508, %mul3A_509 : i32
      %get3A_511 = arith.index_cast %mul3A_510 : i32 to index
      %get3A_512 = tpu.vector_load %arg12[%get3A_511] {strides = array<i32>} : memref<1024xf32, #tpu.memory_space<vmem>>, vector<16xf32>,
      %add3A_513 = arith.constant 2 : i32
      %add3A_514 = arith.addi %mul3A_500, %add3A_513 : i32
      %mul3A_515 = arith.constant 16 : i32
      %mul3A_516 = arith.muli %add3A_514, %mul3A_515 : i32
      %get3A_517 = arith.index_cast %mul3A_516 : i32 to index
      %get3A_518 = tpu.vector_load %arg12[%get3A_517] {strides = array<i32>} : memref<1024xf32, #tpu.memory_space<vmem>>, vector<16xf32>,
      %add3A_519 = arith.constant 3 : i32
      %add3A_520 = arith.addi %mul3A_500, %add3A_519 : i32
      %mul3A_521 = arith.constant 16 : i32
      %mul3A_522 = arith.muli %add3A_520, %mul3A_521 : i32
      %get3A_523 = arith.index_cast %mul3A_522 : i32 to index
      %get3A_524 = tpu.vector_load %arg12[%get3A_523] {strides = array<i32>} : memref<1024xf32, #tpu.memory_space<vmem>>, vector<16xf32>,
      %add3A_525 = arith.constant 4 : i32
      %add3A_526 = arith.addi %mul3A_500, %add3A_525 : i32
      %mul3A_527 = arith.constant 16 : i32
      %mul3A_528 = arith.muli %add3A_526, %mul3A_527 : i32
      %get3A_529 = arith.index_cast %mul3A_528 : i32 to index
      %get3A_530 = tpu.vector_load %arg12[%get3A_529] {strides = array<i32>} : memref<1024xf32, #tpu.memory_space<vmem>>, vector<16xf32>,
      %add3A_531 = arith.constant 5 : i32
      %add3A_532 = arith.addi %mul3A_500, %add3A_531 : i32
      %mul3A_533 = arith.constant 16 : i32
      %mul3A_534 = arith.muli %add3A_532, %mul3A_533 : i32
      %get3A_535 = arith.index_cast %mul3A_534 : i32 to index
      %get3A_536 = tpu.vector_load %arg12[%get3A_535] {strides = array<i32>} : memref<1024xf32, #tpu.memory_space<vmem>>, vector<16xf32>,
      %add3A_537 = arith.constant 6 : i32
      %add3A_538 = arith.addi %mul3A_500, %add3A_537 : i32
      %mul3A_539 = arith.constant 16 : i32
      %mul3A_540 = arith.muli %add3A_538, %mul3A_539 : i32
      %get3A_541 = arith.index_cast %mul3A_540 : i32 to index
      %get3A_542 = tpu.vector_load %arg12[%get3A_541] {strides = array<i32>} : memref<1024xf32, #tpu.memory_space<vmem>>, vector<16xf32>,
      %add3A_543 = arith.constant 7 : i32
      %add3A_544 = arith.addi %mul3A_500, %add3A_543 : i32
      %mul3A_545 = arith.constant 16 : i32
      %mul3A_546 = arith.muli %add3A_544, %mul3A_545 : i32
      %get3A_547 = arith.index_cast %mul3A_546 : i32 to index
      %get3A_548 = tpu.vector_load %arg12[%get3A_547] {strides = array<i32>} : memref<1024xf32, #tpu.memory_space<vmem>>, vector<16xf32>,
      %broadcast_in_dim3A_549 = vector.broadcast %mul3A_500 : i32 to vector<16xi32>
      %parallel_loop3A = arith.constant 0 : i32
      %parallel_loop3A_550 = arith.constant 256 : i32
      %parallel_loop3A_551 = arith.constant 1 : i32
      scf.for %parallel_loop3A_780 = %parallel_loop3A to %parallel_loop3A_550 step %parallel_loop3A_551  : i32 {
        %parallel_loop3A_781 = arith.constant 16 : i32
        %parallel_loop3A_782 = arith.muli %parallel_loop3A_780, %parallel_loop3A_781 : i32
        %parallel_loop3A_783 = arith.index_cast %parallel_loop3A_782 : i32 to index
        %parallel_loop3A_784 = tpu.vector_load %arg13[%parallel_loop3A_783] {strides = array<i32>} : memref<4096xi32, #tpu.memory_space<vmem>>, vector<16xi32>,
        %parallel_loop3A_785 = arith.constant 16 : i32
        %parallel_loop3A_786 = arith.muli %parallel_loop3A_780, %parallel_loop3A_785 : i32
        %parallel_loop3A_787 = arith.index_cast %parallel_loop3A_786 : i32 to index
        %parallel_loop3A_788 = tpu.vector_load %arg14[%parallel_loop3A_787] {strides = array<i32>} : memref<4096xf32, #tpu.memory_space<vmem>>, vector<16xf32>,
        %parallel_loop3A_789 = arith.constant 65 : i32
        %parallel_loop3A_790 = vector.broadcast %parallel_loop3A_789 : i32 to vector<16xi32>
        %parallel_loop3A_791 = arith.muli %parallel_loop3A_784, %parallel_loop3A_790 : vector<16xi32>
        %parallel_loop3A_792 = arith.addi %parallel_loop3A_791, %broadcast_in_dim3A_549 : vector<16xi32>
        %parallel_loop3A_793 = arith.constant 3 : i32
        %parallel_loop3A_794 = arith.shrsi %parallel_loop3A_780, %parallel_loop3A_793 : i32
        %parallel_loop3A_795 = arith.constant 7 : i32
        %parallel_loop3A_796 = arith.andi %parallel_loop3A_780, %parallel_loop3A_795 : i32
        %parallel_loop3A_797 = arith.constant 4 : i32
        %parallel_loop3A_798 = arith.shli %parallel_loop3A_796, %parallel_loop3A_797 : i32
        %parallel_loop3A_799 = arith.constant 0 : i32
        %parallel_loop3A_800 = vector.broadcast %parallel_loop3A_799 : i32 to vector<16xi32>
        %parallel_loop3A_801 = arith.addi %parallel_loop3A_792, %parallel_loop3A_800 : vector<16xi32>
        %parallel_loop3A_802 = tpu.vector_load_idx %arg9[%parallel_loop3A_801] : memref<3456xf32, #tpu.memory_space<vmem>>[vector<16xi32>], vector<16xf32>,
        %parallel_loop3A_803 = arith.mulf %parallel_loop3A_788, %get3A_506 : vector<16xf32>
        %parallel_loop3A_804 = arith.addf %parallel_loop3A_802, %parallel_loop3A_803 : vector<16xf32>
        %parallel_loop3A_805 = arith.constant 0 : i32
        %parallel_loop3A_806 = arith.index_cast %parallel_loop3A_794 : i32 to index
        %parallel_loop3A_807 = arith.index_cast %parallel_loop3A_805 : i32 to index
        %parallel_loop3A_808 = arith.index_cast %parallel_loop3A_798 : i32 to index
        %parallel_loop3A_809 = tpu.vector_load %arg15[%parallel_loop3A_806, %parallel_loop3A_807, %parallel_loop3A_808] {strides = array<i32>} : memref<32x8x128xf32, #tpu.memory_space<vmem>>, vector<16xf32>,
        tpu.vector_store %arg15[%parallel_loop3A_806, %parallel_loop3A_807, %parallel_loop3A_808], %parallel_loop3A_804 {strides = array<i32>} : memref<32x8x128xf32, #tpu.memory_space<vmem>>, vector<16xf32>,
        %parallel_loop3A_810 = arith.constant 1 : i32
        %parallel_loop3A_811 = vector.broadcast %parallel_loop3A_810 : i32 to vector<16xi32>
        %parallel_loop3A_812 = arith.addi %parallel_loop3A_792, %parallel_loop3A_811 : vector<16xi32>
        %parallel_loop3A_813 = tpu.vector_load_idx %arg9[%parallel_loop3A_812] : memref<3456xf32, #tpu.memory_space<vmem>>[vector<16xi32>], vector<16xf32>,
        %parallel_loop3A_814 = arith.mulf %parallel_loop3A_788, %get3A_512 : vector<16xf32>
        %parallel_loop3A_815 = arith.addf %parallel_loop3A_813, %parallel_loop3A_814 : vector<16xf32>
        %parallel_loop3A_816 = arith.constant 1 : i32
        %parallel_loop3A_817 = arith.index_cast %parallel_loop3A_794 : i32 to index
        %parallel_loop3A_818 = arith.index_cast %parallel_loop3A_816 : i32 to index
        %parallel_loop3A_819 = arith.index_cast %parallel_loop3A_798 : i32 to index
        %parallel_loop3A_820 = tpu.vector_load %arg15[%parallel_loop3A_817, %parallel_loop3A_818, %parallel_loop3A_819] {strides = array<i32>} : memref<32x8x128xf32, #tpu.memory_space<vmem>>, vector<16xf32>,
        tpu.vector_store %arg15[%parallel_loop3A_817, %parallel_loop3A_818, %parallel_loop3A_819], %parallel_loop3A_815 {strides = array<i32>} : memref<32x8x128xf32, #tpu.memory_space<vmem>>, vector<16xf32>,
        %parallel_loop3A_821 = arith.constant 2 : i32
        %parallel_loop3A_822 = vector.broadcast %parallel_loop3A_821 : i32 to vector<16xi32>
        %parallel_loop3A_823 = arith.addi %parallel_loop3A_792, %parallel_loop3A_822 : vector<16xi32>
        %parallel_loop3A_824 = tpu.vector_load_idx %arg9[%parallel_loop3A_823] : memref<3456xf32, #tpu.memory_space<vmem>>[vector<16xi32>], vector<16xf32>,
        %parallel_loop3A_825 = arith.mulf %parallel_loop3A_788, %get3A_518 : vector<16xf32>
        %parallel_loop3A_826 = arith.addf %parallel_loop3A_824, %parallel_loop3A_825 : vector<16xf32>
        %parallel_loop3A_827 = arith.constant 2 : i32
        %parallel_loop3A_828 = arith.index_cast %parallel_loop3A_794 : i32 to index
        %parallel_loop3A_829 = arith.index_cast %parallel_loop3A_827 : i32 to index
        %parallel_loop3A_830 = arith.index_cast %parallel_loop3A_798 : i32 to index
        %parallel_loop3A_831 = tpu.vector_load %arg15[%parallel_loop3A_828, %parallel_loop3A_829, %parallel_loop3A_830] {strides = array<i32>} : memref<32x8x128xf32, #tpu.memory_space<vmem>>, vector<16xf32>,
        tpu.vector_store %arg15[%parallel_loop3A_828, %parallel_loop3A_829, %parallel_loop3A_830], %parallel_loop3A_826 {strides = array<i32>} : memref<32x8x128xf32, #tpu.memory_space<vmem>>, vector<16xf32>,
        %parallel_loop3A_832 = arith.constant 3 : i32
        %parallel_loop3A_833 = vector.broadcast %parallel_loop3A_832 : i32 to vector<16xi32>
        %parallel_loop3A_834 = arith.addi %parallel_loop3A_792, %parallel_loop3A_833 : vector<16xi32>
        %parallel_loop3A_835 = tpu.vector_load_idx %arg9[%parallel_loop3A_834] : memref<3456xf32, #tpu.memory_space<vmem>>[vector<16xi32>], vector<16xf32>,
        %parallel_loop3A_836 = arith.mulf %parallel_loop3A_788, %get3A_524 : vector<16xf32>
        %parallel_loop3A_837 = arith.addf %parallel_loop3A_835, %parallel_loop3A_836 : vector<16xf32>
        %parallel_loop3A_838 = arith.constant 3 : i32
        %parallel_loop3A_839 = arith.index_cast %parallel_loop3A_794 : i32 to index
        %parallel_loop3A_840 = arith.index_cast %parallel_loop3A_838 : i32 to index
        %parallel_loop3A_841 = arith.index_cast %parallel_loop3A_798 : i32 to index
        %parallel_loop3A_842 = tpu.vector_load %arg15[%parallel_loop3A_839, %parallel_loop3A_840, %parallel_loop3A_841] {strides = array<i32>} : memref<32x8x128xf32, #tpu.memory_space<vmem>>, vector<16xf32>,
        tpu.vector_store %arg15[%parallel_loop3A_839, %parallel_loop3A_840, %parallel_loop3A_841], %parallel_loop3A_837 {strides = array<i32>} : memref<32x8x128xf32, #tpu.memory_space<vmem>>, vector<16xf32>,
        %parallel_loop3A_843 = arith.constant 4 : i32
        %parallel_loop3A_844 = vector.broadcast %parallel_loop3A_843 : i32 to vector<16xi32>
        %parallel_loop3A_845 = arith.addi %parallel_loop3A_792, %parallel_loop3A_844 : vector<16xi32>
        %parallel_loop3A_846 = tpu.vector_load_idx %arg9[%parallel_loop3A_845] : memref<3456xf32, #tpu.memory_space<vmem>>[vector<16xi32>], vector<16xf32>,
        %parallel_loop3A_847 = arith.mulf %parallel_loop3A_788, %get3A_530 : vector<16xf32>
        %parallel_loop3A_848 = arith.addf %parallel_loop3A_846, %parallel_loop3A_847 : vector<16xf32>
        %parallel_loop3A_849 = arith.constant 4 : i32
        %parallel_loop3A_850 = arith.index_cast %parallel_loop3A_794 : i32 to index
        %parallel_loop3A_851 = arith.index_cast %parallel_loop3A_849 : i32 to index
        %parallel_loop3A_852 = arith.index_cast %parallel_loop3A_798 : i32 to index
        %parallel_loop3A_853 = tpu.vector_load %arg15[%parallel_loop3A_850, %parallel_loop3A_851, %parallel_loop3A_852] {strides = array<i32>} : memref<32x8x128xf32, #tpu.memory_space<vmem>>, vector<16xf32>,
        tpu.vector_store %arg15[%parallel_loop3A_850, %parallel_loop3A_851, %parallel_loop3A_852], %parallel_loop3A_848 {strides = array<i32>} : memref<32x8x128xf32, #tpu.memory_space<vmem>>, vector<16xf32>,
        %parallel_loop3A_854 = arith.constant 5 : i32
        %parallel_loop3A_855 = vector.broadcast %parallel_loop3A_854 : i32 to vector<16xi32>
        %parallel_loop3A_856 = arith.addi %parallel_loop3A_792, %parallel_loop3A_855 : vector<16xi32>
        %parallel_loop3A_857 = tpu.vector_load_idx %arg9[%parallel_loop3A_856] : memref<3456xf32, #tpu.memory_space<vmem>>[vector<16xi32>], vector<16xf32>,
        %parallel_loop3A_858 = arith.mulf %parallel_loop3A_788, %get3A_536 : vector<16xf32>
        %parallel_loop3A_859 = arith.addf %parallel_loop3A_857, %parallel_loop3A_858 : vector<16xf32>
        %parallel_loop3A_860 = arith.constant 5 : i32
        %parallel_loop3A_861 = arith.index_cast %parallel_loop3A_794 : i32 to index
        %parallel_loop3A_862 = arith.index_cast %parallel_loop3A_860 : i32 to index
        %parallel_loop3A_863 = arith.index_cast %parallel_loop3A_798 : i32 to index
        %parallel_loop3A_864 = tpu.vector_load %arg15[%parallel_loop3A_861, %parallel_loop3A_862, %parallel_loop3A_863] {strides = array<i32>} : memref<32x8x128xf32, #tpu.memory_space<vmem>>, vector<16xf32>,
        tpu.vector_store %arg15[%parallel_loop3A_861, %parallel_loop3A_862, %parallel_loop3A_863], %parallel_loop3A_859 {strides = array<i32>} : memref<32x8x128xf32, #tpu.memory_space<vmem>>, vector<16xf32>,
        %parallel_loop3A_865 = arith.constant 6 : i32
        %parallel_loop3A_866 = vector.broadcast %parallel_loop3A_865 : i32 to vector<16xi32>
        %parallel_loop3A_867 = arith.addi %parallel_loop3A_792, %parallel_loop3A_866 : vector<16xi32>
        %parallel_loop3A_868 = tpu.vector_load_idx %arg9[%parallel_loop3A_867] : memref<3456xf32, #tpu.memory_space<vmem>>[vector<16xi32>], vector<16xf32>,
        %parallel_loop3A_869 = arith.mulf %parallel_loop3A_788, %get3A_542 : vector<16xf32>
        %parallel_loop3A_870 = arith.addf %parallel_loop3A_868, %parallel_loop3A_869 : vector<16xf32>
        %parallel_loop3A_871 = arith.constant 6 : i32
        %parallel_loop3A_872 = arith.index_cast %parallel_loop3A_794 : i32 to index
        %parallel_loop3A_873 = arith.index_cast %parallel_loop3A_871 : i32 to index
        %parallel_loop3A_874 = arith.index_cast %parallel_loop3A_798 : i32 to index
        %parallel_loop3A_875 = tpu.vector_load %arg15[%parallel_loop3A_872, %parallel_loop3A_873, %parallel_loop3A_874] {strides = array<i32>} : memref<32x8x128xf32, #tpu.memory_space<vmem>>, vector<16xf32>,
        tpu.vector_store %arg15[%parallel_loop3A_872, %parallel_loop3A_873, %parallel_loop3A_874], %parallel_loop3A_870 {strides = array<i32>} : memref<32x8x128xf32, #tpu.memory_space<vmem>>, vector<16xf32>,
        %parallel_loop3A_876 = arith.constant 7 : i32
        %parallel_loop3A_877 = vector.broadcast %parallel_loop3A_876 : i32 to vector<16xi32>
        %parallel_loop3A_878 = arith.addi %parallel_loop3A_792, %parallel_loop3A_877 : vector<16xi32>
        %parallel_loop3A_879 = tpu.vector_load_idx %arg9[%parallel_loop3A_878] : memref<3456xf32, #tpu.memory_space<vmem>>[vector<16xi32>], vector<16xf32>,
        %parallel_loop3A_880 = arith.mulf %parallel_loop3A_788, %get3A_548 : vector<16xf32>
        %parallel_loop3A_881 = arith.addf %parallel_loop3A_879, %parallel_loop3A_880 : vector<16xf32>
        %parallel_loop3A_882 = arith.constant 7 : i32
        %parallel_loop3A_883 = arith.index_cast %parallel_loop3A_794 : i32 to index
        %parallel_loop3A_884 = arith.index_cast %parallel_loop3A_882 : i32 to index
        %parallel_loop3A_885 = arith.index_cast %parallel_loop3A_798 : i32 to index
        %parallel_loop3A_886 = tpu.vector_load %arg15[%parallel_loop3A_883, %parallel_loop3A_884, %parallel_loop3A_885] {strides = array<i32>} : memref<32x8x128xf32, #tpu.memory_space<vmem>>, vector<16xf32>,
        tpu.vector_store %arg15[%parallel_loop3A_883, %parallel_loop3A_884, %parallel_loop3A_885], %parallel_loop3A_881 {strides = array<i32>} : memref<32x8x128xf32, #tpu.memory_space<vmem>>, vector<16xf32>,
      } {sc.loop_unroll_factor = 1 : i64, sc.parallel_access}
      %mul3A_552 = arith.constant 50 : i32
      %mul3A_553 = arith.muli %add3A, %mul3A_552 : i32
      %add3A_554 = arith.addi %mul3A_553, %mul3A_385 : i32
      %jit3A_555 = arith.constant 200 : i32
      %eq3A_556 = arith.constant 0 : i32
      %eq3A_557 = arith.cmpi eq, %jit3A_555, %eq3A_556 : i32
      %jit3A_558 = arith.constant 1 : i32
      %select_n3A_559 = arith.select %eq3A_557, %jit3A_558, %jit3A_555 : i32
      %rem3A_560 = arith.remsi %add3A_554, %select_n3A_559 : i32
      %ne3A_561 = arith.constant 0 : i32
      %ne3A_562 = arith.cmpi ne, %rem3A_560, %ne3A_561 : i32
      %lt3A_563 = arith.constant 0 : i32
      %lt3A_564 = arith.cmpi slt, %rem3A_560, %lt3A_563 : i32
      %lt3A_565 = arith.constant 0 : i32
      %lt3A_566 = arith.cmpi slt, %select_n3A_559, %lt3A_565 : i32
      %ne3A_567 = arith.xori %lt3A_564, %lt3A_566 : i1
      %and3A_568 = arith.andi %ne3A_567, %ne3A_562 : i1
      %add3A_569 = arith.addi %rem3A_560, %select_n3A_559 : i32
      %select_n3A_570 = arith.select %and3A_568, %add3A_569, %rem3A_560 : i32
      %jit3A_571 = arith.constant 200 : i32
      %div3A_572 = arith.divsi %add3A_554, %jit3A_571 : i32
      %sign3A_573 = arith.constant 0 : i32
      %sign3A_574 = arith.cmpi sgt, %add3A_554, %sign3A_573 : i32
      %sign3A_575 = arith.extui %sign3A_574 : i1 to i32
      %sign3A_576 = arith.constant 0 : i32
      %sign3A_577 = arith.cmpi slt, %add3A_554, %sign3A_576 : i32
      %sign3A_578 = arith.extui %sign3A_577 : i1 to i32
      %sign3A_579 = arith.subi %sign3A_575, %sign3A_578 : i32
      %sign3A_580 = arith.constant 0 : i32
      %sign3A_581 = arith.cmpi sgt, %jit3A_571, %sign3A_580 : i32
      %sign3A_582 = arith.extui %sign3A_581 : i1 to i32
      %sign3A_583 = arith.constant 0 : i32
      %sign3A_584 = arith.cmpi slt, %jit3A_571, %sign3A_583 : i32
      %sign3A_585 = arith.extui %sign3A_584 : i1 to i32
      %sign3A_586 = arith.subi %sign3A_582, %sign3A_585 : i32
      %ne3A_587 = arith.cmpi ne, %sign3A_579, %sign3A_586 : i32
      %rem3A_588 = arith.remsi %add3A_554, %jit3A_571 : i32
      %ne3A_589 = arith.constant 0 : i32
      %ne3A_590 = arith.cmpi ne, %rem3A_588, %ne3A_589 : i32
      %and3A_591 = arith.andi %ne3A_587, %ne3A_590 : i1
      %sub3A_592 = arith.constant 1 : i32
      %sub3A_593 = arith.subi %div3A_572, %sub3A_592 : i32
      %select_n3A_594 = arith.select %and3A_591, %sub3A_593, %div3A_572 : i32
      %dma_start3A_595 = arith.constant 0 : i32
      %dma_start3A_596 = arith.constant 0 : i32
      %dma_start3A_597 = arith.constant 0 : i32
      %dma_start3A_598 = tpu.memref_slice %arg7[%select_n3A_570, %select_n3A_594, %dma_start3A_595, %dma_start3A_596, %dma_start3A_597] : memref<200x8x32x8x128xf32, #tpu.memory_space<hbm>> -> memref<1x1x32x8x128xf32, #tpu.memory_space<hbm>>
      %dma_start3A_599 = tpu.memref_squeeze %dma_start3A_598 : memref<1x1x32x8x128xf32, #tpu.memory_space<hbm>> -> memref<32x8x128xf32, #tpu.memory_space<hbm>>
      %dma_start3A_600 = arith.constant 0 : i32
      %dma_start3A_601 = arith.constant 0 : i32
      %dma_start3A_602 = arith.constant 0 : i32
      %dma_start3A_603 = tpu.memref_slice %arg7[%select_n3A_570, %select_n3A_594, %dma_start3A_600, %dma_start3A_601, %dma_start3A_602] : memref<200x8x32x8x128xf32, #tpu.memory_space<hbm>> -> memref<1x1x32x8x128xf32, #tpu.memory_space<hbm>>
      %dma_start3A_604 = tpu.memref_squeeze %dma_start3A_603 : memref<1x1x32x8x128xf32, #tpu.memory_space<hbm>> -> memref<32x8x128xf32, #tpu.memory_space<hbm>>
      tpu.enqueue_dma source(%arg15 : memref<32x8x128xf32, #tpu.memory_space<vmem>>) target(%dma_start3A_604 : memref<32x8x128xf32, #tpu.memory_space<hbm>>) target_semaphore(%arg21 : memref<!tpu.dma_semaphore, #tpu.memory_space<semaphore_mem>>)
      %lt3A_605 = arith.constant 24 : i32
      %lt3A_606 = arith.cmpi slt, %scan3A_382, %lt3A_605 : i32
      %convert_element_type3A_607 = arith.extui %lt3A_606 : i1 to i32
      %cond3A_608 = arith.constant 0 : i32
      %cond3A_609 = arith.cmpi ne, %convert_element_type3A_607, %cond3A_608 : i32
      scf.if %cond3A_609 {
        %add3A_780 = arith.constant 2 : i32
        %add3A_781 = arith.addi %mul3A_385, %add3A_780 : i32
        %mul3A_782 = arith.constant 50 : i32
        %mul3A_783 = arith.muli %add3A, %mul3A_782 : i32
        %add3A_784 = arith.addi %mul3A_783, %add3A_781 : i32
        %jit3A_785 = arith.constant 200 : i32
        %eq3A_786 = arith.constant 0 : i32
        %eq3A_787 = arith.cmpi eq, %jit3A_785, %eq3A_786 : i32
        %jit3A_788 = arith.constant 1 : i32
        %select_n3A_789 = arith.select %eq3A_787, %jit3A_788, %jit3A_785 : i32
        %rem3A_790 = arith.remsi %add3A_784, %select_n3A_789 : i32
        %ne3A_791 = arith.constant 0 : i32
        %ne3A_792 = arith.cmpi ne, %rem3A_790, %ne3A_791 : i32
        %lt3A_793 = arith.constant 0 : i32
        %lt3A_794 = arith.cmpi slt, %rem3A_790, %lt3A_793 : i32
        %lt3A_795 = arith.constant 0 : i32
        %lt3A_796 = arith.cmpi slt, %select_n3A_789, %lt3A_795 : i32
        %ne3A_797 = arith.xori %lt3A_794, %lt3A_796 : i1
        %and3A_798 = arith.andi %ne3A_797, %ne3A_792 : i1
        %add3A_799 = arith.addi %rem3A_790, %select_n3A_789 : i32
        %select_n3A_800 = arith.select %and3A_798, %add3A_799, %rem3A_790 : i32
        %jit3A_801 = arith.constant 200 : i32
        %div3A_802 = arith.divsi %add3A_784, %jit3A_801 : i32
        %sign3A_803 = arith.constant 0 : i32
        %sign3A_804 = arith.cmpi sgt, %add3A_784, %sign3A_803 : i32
        %sign3A_805 = arith.extui %sign3A_804 : i1 to i32
        %sign3A_806 = arith.constant 0 : i32
        %sign3A_807 = arith.cmpi slt, %add3A_784, %sign3A_806 : i32
        %sign3A_808 = arith.extui %sign3A_807 : i1 to i32
        %sign3A_809 = arith.subi %sign3A_805, %sign3A_808 : i32
        %sign3A_810 = arith.constant 0 : i32
        %sign3A_811 = arith.cmpi sgt, %jit3A_801, %sign3A_810 : i32
        %sign3A_812 = arith.extui %sign3A_811 : i1 to i32
        %sign3A_813 = arith.constant 0 : i32
        %sign3A_814 = arith.cmpi slt, %jit3A_801, %sign3A_813 : i32
        %sign3A_815 = arith.extui %sign3A_814 : i1 to i32
        %sign3A_816 = arith.subi %sign3A_812, %sign3A_815 : i32
        %ne3A_817 = arith.cmpi ne, %sign3A_809, %sign3A_816 : i32
        %rem3A_818 = arith.remsi %add3A_784, %jit3A_801 : i32
        %ne3A_819 = arith.constant 0 : i32
        %ne3A_820 = arith.cmpi ne, %rem3A_818, %ne3A_819 : i32
        %and3A_821 = arith.andi %ne3A_817, %ne3A_820 : i1
        %sub3A_822 = arith.constant 1 : i32
        %sub3A_823 = arith.subi %div3A_802, %sub3A_822 : i32
        %select_n3A_824 = arith.select %and3A_821, %sub3A_823, %div3A_802 : i32
        %dma_start3A_825 = arith.constant 0 : i32
        %dma_start3A_826 = tpu.memref_slice %arg2[%select_n3A_800, %dma_start3A_825] : memref<200x4096xi32, #tpu.memory_space<hbm>> -> memref<1x4096xi32, #tpu.memory_space<hbm>>
        %dma_start3A_827 = tpu.memref_squeeze %dma_start3A_826 : memref<1x4096xi32, #tpu.memory_space<hbm>> -> memref<4096xi32, #tpu.memory_space<hbm>>
        %dma_start3A_828 = arith.constant 0 : i32
        %dma_start3A_829 = tpu.memref_slice %arg2[%select_n3A_800, %dma_start3A_828] : memref<200x4096xi32, #tpu.memory_space<hbm>> -> memref<1x4096xi32, #tpu.memory_space<hbm>>
        %dma_start3A_830 = tpu.memref_squeeze %dma_start3A_829 : memref<1x4096xi32, #tpu.memory_space<hbm>> -> memref<4096xi32, #tpu.memory_space<hbm>>
        tpu.enqueue_dma source(%dma_start3A_830 : memref<4096xi32, #tpu.memory_space<hbm>>) target(%arg13 : memref<4096xi32, #tpu.memory_space<vmem>>) target_semaphore(%arg19 : memref<!tpu.dma_semaphore, #tpu.memory_space<semaphore_mem>>)
        %dma_start3A_831 = arith.constant 0 : i32
        %dma_start3A_832 = tpu.memref_slice %arg3[%select_n3A_800, %dma_start3A_831] : memref<200x4096xf32, #tpu.memory_space<hbm>> -> memref<1x4096xf32, #tpu.memory_space<hbm>>
        %dma_start3A_833 = tpu.memref_squeeze %dma_start3A_832 : memref<1x4096xf32, #tpu.memory_space<hbm>> -> memref<4096xf32, #tpu.memory_space<hbm>>
        %dma_start3A_834 = arith.constant 0 : i32
        %dma_start3A_835 = tpu.memref_slice %arg3[%select_n3A_800, %dma_start3A_834] : memref<200x4096xf32, #tpu.memory_space<hbm>> -> memref<1x4096xf32, #tpu.memory_space<hbm>>
        %dma_start3A_836 = tpu.memref_squeeze %dma_start3A_835 : memref<1x4096xf32, #tpu.memory_space<hbm>> -> memref<4096xf32, #tpu.memory_space<hbm>>
        tpu.enqueue_dma source(%dma_start3A_836 : memref<4096xf32, #tpu.memory_space<hbm>>) target(%arg14 : memref<4096xf32, #tpu.memory_space<vmem>>) target_semaphore(%arg19 : memref<!tpu.dma_semaphore, #tpu.memory_space<semaphore_mem>>)
      } else {
      }
      %dma_wait3A_610 = arith.constant 0 : i32
      %dma_wait3A_611 = arith.constant 0 : i32
      %dma_wait3A_612 = tpu.memref_slice %arg2[%dma_wait3A_610, %dma_wait3A_611] : memref<200x4096xi32, #tpu.memory_space<hbm>> -> memref<1x4096xi32, #tpu.memory_space<hbm>>
      %dma_wait3A_613 = tpu.memref_squeeze %dma_wait3A_612 : memref<1x4096xi32, #tpu.memory_space<hbm>> -> memref<4096xi32, #tpu.memory_space<hbm>>
      %dma_wait3A_614 = arith.constant 0 : i32
      %dma_wait3A_615 = tpu.memref_slice %arg2[%dma_wait3A_610, %dma_wait3A_614] : memref<200x4096xi32, #tpu.memory_space<hbm>> -> memref<1x4096xi32, #tpu.memory_space<hbm>>
      %dma_wait3A_616 = tpu.memref_squeeze %dma_wait3A_615 : memref<1x4096xi32, #tpu.memory_space<hbm>> -> memref<4096xi32, #tpu.memory_space<hbm>>
      tpu.wait_dma2 semaphore(%arg20 : memref<!tpu.dma_semaphore, #tpu.memory_space<semaphore_mem>>) src(%dma_wait3A_616 : memref<4096xi32, #tpu.memory_space<hbm>>) dst(%arg16 : memref<4096xi32, #tpu.memory_space<vmem>>)
      %dma_wait3A_617 = arith.constant 0 : i32
      %dma_wait3A_618 = arith.constant 0 : i32
      %dma_wait3A_619 = tpu.memref_slice %arg3[%dma_wait3A_617, %dma_wait3A_618] : memref<200x4096xf32, #tpu.memory_space<hbm>> -> memref<1x4096xf32, #tpu.memory_space<hbm>>
      %dma_wait3A_620 = tpu.memref_squeeze %dma_wait3A_619 : memref<1x4096xf32, #tpu.memory_space<hbm>> -> memref<4096xf32, #tpu.memory_space<hbm>>
      %dma_wait3A_621 = arith.constant 0 : i32
      %dma_wait3A_622 = tpu.memref_slice %arg3[%dma_wait3A_617, %dma_wait3A_621] : memref<200x4096xf32, #tpu.memory_space<hbm>> -> memref<1x4096xf32, #tpu.memory_space<hbm>>
      %dma_wait3A_623 = tpu.memref_squeeze %dma_wait3A_622 : memref<1x4096xf32, #tpu.memory_space<hbm>> -> memref<4096xf32, #tpu.memory_space<hbm>>
      tpu.wait_dma2 semaphore(%arg20 : memref<!tpu.dma_semaphore, #tpu.memory_space<semaphore_mem>>) src(%dma_wait3A_623 : memref<4096xf32, #tpu.memory_space<hbm>>) dst(%arg17 : memref<4096xf32, #tpu.memory_space<vmem>>)
      %gt3A_624 = arith.constant 0 : i32
      %gt3A_625 = arith.cmpi sgt, %scan3A_382, %gt3A_624 : i32
      %convert_element_type3A_626 = arith.extui %gt3A_625 : i1 to i32
      %cond3A_627 = arith.constant 0 : i32
      %cond3A_628 = arith.cmpi ne, %convert_element_type3A_626, %cond3A_627 : i32
      scf.if %cond3A_628 {
        %dma_wait3A_780 = arith.constant 0 : i32
        %dma_wait3A_781 = arith.constant 0 : i32
        %dma_wait3A_782 = arith.constant 0 : i32
        %dma_wait3A_783 = arith.constant 0 : i32
        %dma_wait3A_784 = arith.constant 0 : i32
        %dma_wait3A_785 = tpu.memref_slice %arg7[%dma_wait3A_780, %dma_wait3A_781, %dma_wait3A_782, %dma_wait3A_783, %dma_wait3A_784] : memref<200x8x32x8x128xf32, #tpu.memory_space<hbm>> -> memref<1x1x32x8x128xf32, #tpu.memory_space<hbm>>
        %dma_wait3A_786 = tpu.memref_squeeze %dma_wait3A_785 : memref<1x1x32x8x128xf32, #tpu.memory_space<hbm>> -> memref<32x8x128xf32, #tpu.memory_space<hbm>>
        %dma_wait3A_787 = arith.constant 0 : i32
        %dma_wait3A_788 = arith.constant 0 : i32
        %dma_wait3A_789 = arith.constant 0 : i32
        %dma_wait3A_790 = tpu.memref_slice %arg7[%dma_wait3A_780, %dma_wait3A_781, %dma_wait3A_787, %dma_wait3A_788, %dma_wait3A_789] : memref<200x8x32x8x128xf32, #tpu.memory_space<hbm>> -> memref<1x1x32x8x128xf32, #tpu.memory_space<hbm>>
        %dma_wait3A_791 = tpu.memref_squeeze %dma_wait3A_790 : memref<1x1x32x8x128xf32, #tpu.memory_space<hbm>> -> memref<32x8x128xf32, #tpu.memory_space<hbm>>
        tpu.wait_dma2 semaphore(%arg22 : memref<!tpu.dma_semaphore, #tpu.memory_space<semaphore_mem>>) src(%dma_wait3A_791 : memref<32x8x128xf32, #tpu.memory_space<hbm>>) dst(%arg18 : memref<32x8x128xf32, #tpu.memory_space<vmem>>)
      } else {
      }
      %mul3A_629 = arith.constant 50 : i32
      %mul3A_630 = arith.muli %add3A, %mul3A_629 : i32
      %add3A_631 = arith.addi %mul3A_630, %add3A_387 : i32
      %jit3A_632 = arith.constant 200 : i32
      %eq3A_633 = arith.constant 0 : i32
      %eq3A_634 = arith.cmpi eq, %jit3A_632, %eq3A_633 : i32
      %jit3A_635 = arith.constant 1 : i32
      %select_n3A_636 = arith.select %eq3A_634, %jit3A_635, %jit3A_632 : i32
      %rem3A_637 = arith.remsi %add3A_631, %select_n3A_636 : i32
      %ne3A_638 = arith.constant 0 : i32
      %ne3A_639 = arith.cmpi ne, %rem3A_637, %ne3A_638 : i32
      %lt3A_640 = arith.constant 0 : i32
      %lt3A_641 = arith.cmpi slt, %rem3A_637, %lt3A_640 : i32
      %lt3A_642 = arith.constant 0 : i32
      %lt3A_643 = arith.cmpi slt, %select_n3A_636, %lt3A_642 : i32
      %ne3A_644 = arith.xori %lt3A_641, %lt3A_643 : i1
      %and3A_645 = arith.andi %ne3A_644, %ne3A_639 : i1
      %add3A_646 = arith.addi %rem3A_637, %select_n3A_636 : i32
      %select_n3A_647 = arith.select %and3A_645, %add3A_646, %rem3A_637 : i32
      %jit3A_648 = arith.constant 200 : i32
      %div3A_649 = arith.divsi %add3A_631, %jit3A_648 : i32
      %sign3A_650 = arith.constant 0 : i32
      %sign3A_651 = arith.cmpi sgt, %add3A_631, %sign3A_650 : i32
      %sign3A_652 = arith.extui %sign3A_651 : i1 to i32
      %sign3A_653 = arith.constant 0 : i32
      %sign3A_654 = arith.cmpi slt, %add3A_631, %sign3A_653 : i32
      %sign3A_655 = arith.extui %sign3A_654 : i1 to i32
      %sign3A_656 = arith.subi %sign3A_652, %sign3A_655 : i32
      %sign3A_657 = arith.constant 0 : i32
      %sign3A_658 = arith.cmpi sgt, %jit3A_648, %sign3A_657 : i32
      %sign3A_659 = arith.extui %sign3A_658 : i1 to i32
      %sign3A_660 = arith.constant 0 : i32
      %sign3A_661 = arith.cmpi slt, %jit3A_648, %sign3A_660 : i32
      %sign3A_662 = arith.extui %sign3A_661 : i1 to i32
      %sign3A_663 = arith.subi %sign3A_659, %sign3A_662 : i32
      %ne3A_664 = arith.cmpi ne, %sign3A_656, %sign3A_663 : i32
      %rem3A_665 = arith.remsi %add3A_631, %jit3A_648 : i32
      %ne3A_666 = arith.constant 0 : i32
      %ne3A_667 = arith.cmpi ne, %rem3A_665, %ne3A_666 : i32
      %and3A_668 = arith.andi %ne3A_664, %ne3A_667 : i1
      %sub3A_669 = arith.constant 1 : i32
      %sub3A_670 = arith.subi %div3A_649, %sub3A_669 : i32
      %select_n3A_671 = arith.select %and3A_668, %sub3A_670, %div3A_649 : i32
      %mul3A_672 = arith.constant 8 : i32
      %mul3A_673 = arith.muli %select_n3A_671, %mul3A_672 : i32
      %add3A_674 = arith.constant 0 : i32
      %add3A_675 = arith.addi %mul3A_673, %add3A_674 : i32
      %mul3A_676 = arith.constant 16 : i32
      %mul3A_677 = arith.muli %add3A_675, %mul3A_676 : i32
      %get3A_678 = arith.index_cast %mul3A_677 : i32 to index
      %get3A_679 = tpu.vector_load %arg12[%get3A_678] {strides = array<i32>} : memref<1024xf32, #tpu.memory_space<vmem>>, vector<16xf32>,
      %add3A_680 = arith.constant 1 : i32
      %add3A_681 = arith.addi %mul3A_673, %add3A_680 : i32
      %mul3A_682 = arith.constant 16 : i32
      %mul3A_683 = arith.muli %add3A_681, %mul3A_682 : i32
      %get3A_684 = arith.index_cast %mul3A_683 : i32 to index
      %get3A_685 = tpu.vector_load %arg12[%get3A_684] {strides = array<i32>} : memref<1024xf32, #tpu.memory_space<vmem>>, vector<16xf32>,
      %add3A_686 = arith.constant 2 : i32
      %add3A_687 = arith.addi %mul3A_673, %add3A_686 : i32
      %mul3A_688 = arith.constant 16 : i32
      %mul3A_689 = arith.muli %add3A_687, %mul3A_688 : i32
      %get3A_690 = arith.index_cast %mul3A_689 : i32 to index
      %get3A_691 = tpu.vector_load %arg12[%get3A_690] {strides = array<i32>} : memref<1024xf32, #tpu.memory_space<vmem>>, vector<16xf32>,
      %add3A_692 = arith.constant 3 : i32
      %add3A_693 = arith.addi %mul3A_673, %add3A_692 : i32
      %mul3A_694 = arith.constant 16 : i32
      %mul3A_695 = arith.muli %add3A_693, %mul3A_694 : i32
      %get3A_696 = arith.index_cast %mul3A_695 : i32 to index
      %get3A_697 = tpu.vector_load %arg12[%get3A_696] {strides = array<i32>} : memref<1024xf32, #tpu.memory_space<vmem>>, vector<16xf32>,
      %add3A_698 = arith.constant 4 : i32
      %add3A_699 = arith.addi %mul3A_673, %add3A_698 : i32
      %mul3A_700 = arith.constant 16 : i32
      %mul3A_701 = arith.muli %add3A_699, %mul3A_700 : i32
      %get3A_702 = arith.index_cast %mul3A_701 : i32 to index
      %get3A_703 = tpu.vector_load %arg12[%get3A_702] {strides = array<i32>} : memref<1024xf32, #tpu.memory_space<vmem>>, vector<16xf32>,
      %add3A_704 = arith.constant 5 : i32
      %add3A_705 = arith.addi %mul3A_673, %add3A_704 : i32
      %mul3A_706 = arith.constant 16 : i32
      %mul3A_707 = arith.muli %add3A_705, %mul3A_706 : i32
      %get3A_708 = arith.index_cast %mul3A_707 : i32 to index
      %get3A_709 = tpu.vector_load %arg12[%get3A_708] {strides = array<i32>} : memref<1024xf32, #tpu.memory_space<vmem>>, vector<16xf32>,
      %add3A_710 = arith.constant 6 : i32
      %add3A_711 = arith.addi %mul3A_673, %add3A_710 : i32
      %mul3A_712 = arith.constant 16 : i32
      %mul3A_713 = arith.muli %add3A_711, %mul3A_712 : i32
      %get3A_714 = arith.index_cast %mul3A_713 : i32 to index
      %get3A_715 = tpu.vector_load %arg12[%get3A_714] {strides = array<i32>} : memref<1024xf32, #tpu.memory_space<vmem>>, vector<16xf32>,
      %add3A_716 = arith.constant 7 : i32
      %add3A_717 = arith.addi %mul3A_673, %add3A_716 : i32
      %mul3A_718 = arith.constant 16 : i32
      %mul3A_719 = arith.muli %add3A_717, %mul3A_718 : i32
      %get3A_720 = arith.index_cast %mul3A_719 : i32 to index
      %get3A_721 = tpu.vector_load %arg12[%get3A_720] {strides = array<i32>} : memref<1024xf32, #tpu.memory_space<vmem>>, vector<16xf32>,
      %broadcast_in_dim3A_722 = vector.broadcast %mul3A_673 : i32 to vector<16xi32>
      %parallel_loop3A_723 = arith.constant 0 : i32
      %parallel_loop3A_724 = arith.constant 256 : i32
      %parallel_loop3A_725 = arith.constant 1 : i32
      scf.for %parallel_loop3A_780 = %parallel_loop3A_723 to %parallel_loop3A_724 step %parallel_loop3A_725  : i32 {
        %parallel_loop3A_781 = arith.constant 16 : i32
        %parallel_loop3A_782 = arith.muli %parallel_loop3A_780, %parallel_loop3A_781 : i32
        %parallel_loop3A_783 = arith.index_cast %parallel_loop3A_782 : i32 to index
        %parallel_loop3A_784 = tpu.vector_load %arg16[%parallel_loop3A_783] {strides = array<i32>} : memref<4096xi32, #tpu.memory_space<vmem>>, vector<16xi32>,
        %parallel_loop3A_785 = arith.constant 16 : i32
        %parallel_loop3A_786 = arith.muli %parallel_loop3A_780, %parallel_loop3A_785 : i32
        %parallel_loop3A_787 = arith.index_cast %parallel_loop3A_786 : i32 to index
        %parallel_loop3A_788 = tpu.vector_load %arg17[%parallel_loop3A_787] {strides = array<i32>} : memref<4096xf32, #tpu.memory_space<vmem>>, vector<16xf32>,
        %parallel_loop3A_789 = arith.constant 65 : i32
        %parallel_loop3A_790 = vector.broadcast %parallel_loop3A_789 : i32 to vector<16xi32>
        %parallel_loop3A_791 = arith.muli %parallel_loop3A_784, %parallel_loop3A_790 : vector<16xi32>
        %parallel_loop3A_792 = arith.addi %parallel_loop3A_791, %broadcast_in_dim3A_722 : vector<16xi32>
        %parallel_loop3A_793 = arith.constant 3 : i32
        %parallel_loop3A_794 = arith.shrsi %parallel_loop3A_780, %parallel_loop3A_793 : i32
        %parallel_loop3A_795 = arith.constant 7 : i32
        %parallel_loop3A_796 = arith.andi %parallel_loop3A_780, %parallel_loop3A_795 : i32
        %parallel_loop3A_797 = arith.constant 4 : i32
        %parallel_loop3A_798 = arith.shli %parallel_loop3A_796, %parallel_loop3A_797 : i32
        %parallel_loop3A_799 = arith.constant 0 : i32
        %parallel_loop3A_800 = vector.broadcast %parallel_loop3A_799 : i32 to vector<16xi32>
        %parallel_loop3A_801 = arith.addi %parallel_loop3A_792, %parallel_loop3A_800 : vector<16xi32>
        %parallel_loop3A_802 = tpu.vector_load_idx %arg9[%parallel_loop3A_801] : memref<3456xf32, #tpu.memory_space<vmem>>[vector<16xi32>], vector<16xf32>,
        %parallel_loop3A_803 = arith.mulf %parallel_loop3A_788, %get3A_679 : vector<16xf32>
        %parallel_loop3A_804 = arith.addf %parallel_loop3A_802, %parallel_loop3A_803 : vector<16xf32>
        %parallel_loop3A_805 = arith.constant 0 : i32
        %parallel_loop3A_806 = arith.index_cast %parallel_loop3A_794 : i32 to index
        %parallel_loop3A_807 = arith.index_cast %parallel_loop3A_805 : i32 to index
        %parallel_loop3A_808 = arith.index_cast %parallel_loop3A_798 : i32 to index
        %parallel_loop3A_809 = tpu.vector_load %arg18[%parallel_loop3A_806, %parallel_loop3A_807, %parallel_loop3A_808] {strides = array<i32>} : memref<32x8x128xf32, #tpu.memory_space<vmem>>, vector<16xf32>,
        tpu.vector_store %arg18[%parallel_loop3A_806, %parallel_loop3A_807, %parallel_loop3A_808], %parallel_loop3A_804 {strides = array<i32>} : memref<32x8x128xf32, #tpu.memory_space<vmem>>, vector<16xf32>,
        %parallel_loop3A_810 = arith.constant 1 : i32
        %parallel_loop3A_811 = vector.broadcast %parallel_loop3A_810 : i32 to vector<16xi32>
        %parallel_loop3A_812 = arith.addi %parallel_loop3A_792, %parallel_loop3A_811 : vector<16xi32>
        %parallel_loop3A_813 = tpu.vector_load_idx %arg9[%parallel_loop3A_812] : memref<3456xf32, #tpu.memory_space<vmem>>[vector<16xi32>], vector<16xf32>,
        %parallel_loop3A_814 = arith.mulf %parallel_loop3A_788, %get3A_685 : vector<16xf32>
        %parallel_loop3A_815 = arith.addf %parallel_loop3A_813, %parallel_loop3A_814 : vector<16xf32>
        %parallel_loop3A_816 = arith.constant 1 : i32
        %parallel_loop3A_817 = arith.index_cast %parallel_loop3A_794 : i32 to index
        %parallel_loop3A_818 = arith.index_cast %parallel_loop3A_816 : i32 to index
        %parallel_loop3A_819 = arith.index_cast %parallel_loop3A_798 : i32 to index
        %parallel_loop3A_820 = tpu.vector_load %arg18[%parallel_loop3A_817, %parallel_loop3A_818, %parallel_loop3A_819] {strides = array<i32>} : memref<32x8x128xf32, #tpu.memory_space<vmem>>, vector<16xf32>,
        tpu.vector_store %arg18[%parallel_loop3A_817, %parallel_loop3A_818, %parallel_loop3A_819], %parallel_loop3A_815 {strides = array<i32>} : memref<32x8x128xf32, #tpu.memory_space<vmem>>, vector<16xf32>,
        %parallel_loop3A_821 = arith.constant 2 : i32
        %parallel_loop3A_822 = vector.broadcast %parallel_loop3A_821 : i32 to vector<16xi32>
        %parallel_loop3A_823 = arith.addi %parallel_loop3A_792, %parallel_loop3A_822 : vector<16xi32>
        %parallel_loop3A_824 = tpu.vector_load_idx %arg9[%parallel_loop3A_823] : memref<3456xf32, #tpu.memory_space<vmem>>[vector<16xi32>], vector<16xf32>,
        %parallel_loop3A_825 = arith.mulf %parallel_loop3A_788, %get3A_691 : vector<16xf32>
        %parallel_loop3A_826 = arith.addf %parallel_loop3A_824, %parallel_loop3A_825 : vector<16xf32>
        %parallel_loop3A_827 = arith.constant 2 : i32
        %parallel_loop3A_828 = arith.index_cast %parallel_loop3A_794 : i32 to index
        %parallel_loop3A_829 = arith.index_cast %parallel_loop3A_827 : i32 to index
        %parallel_loop3A_830 = arith.index_cast %parallel_loop3A_798 : i32 to index
        %parallel_loop3A_831 = tpu.vector_load %arg18[%parallel_loop3A_828, %parallel_loop3A_829, %parallel_loop3A_830] {strides = array<i32>} : memref<32x8x128xf32, #tpu.memory_space<vmem>>, vector<16xf32>,
        tpu.vector_store %arg18[%parallel_loop3A_828, %parallel_loop3A_829, %parallel_loop3A_830], %parallel_loop3A_826 {strides = array<i32>} : memref<32x8x128xf32, #tpu.memory_space<vmem>>, vector<16xf32>,
        %parallel_loop3A_832 = arith.constant 3 : i32
        %parallel_loop3A_833 = vector.broadcast %parallel_loop3A_832 : i32 to vector<16xi32>
        %parallel_loop3A_834 = arith.addi %parallel_loop3A_792, %parallel_loop3A_833 : vector<16xi32>
        %parallel_loop3A_835 = tpu.vector_load_idx %arg9[%parallel_loop3A_834] : memref<3456xf32, #tpu.memory_space<vmem>>[vector<16xi32>], vector<16xf32>,
        %parallel_loop3A_836 = arith.mulf %parallel_loop3A_788, %get3A_697 : vector<16xf32>
        %parallel_loop3A_837 = arith.addf %parallel_loop3A_835, %parallel_loop3A_836 : vector<16xf32>
        %parallel_loop3A_838 = arith.constant 3 : i32
        %parallel_loop3A_839 = arith.index_cast %parallel_loop3A_794 : i32 to index
        %parallel_loop3A_840 = arith.index_cast %parallel_loop3A_838 : i32 to index
        %parallel_loop3A_841 = arith.index_cast %parallel_loop3A_798 : i32 to index
        %parallel_loop3A_842 = tpu.vector_load %arg18[%parallel_loop3A_839, %parallel_loop3A_840, %parallel_loop3A_841] {strides = array<i32>} : memref<32x8x128xf32, #tpu.memory_space<vmem>>, vector<16xf32>,
        tpu.vector_store %arg18[%parallel_loop3A_839, %parallel_loop3A_840, %parallel_loop3A_841], %parallel_loop3A_837 {strides = array<i32>} : memref<32x8x128xf32, #tpu.memory_space<vmem>>, vector<16xf32>,
        %parallel_loop3A_843 = arith.constant 4 : i32
        %parallel_loop3A_844 = vector.broadcast %parallel_loop3A_843 : i32 to vector<16xi32>
        %parallel_loop3A_845 = arith.addi %parallel_loop3A_792, %parallel_loop3A_844 : vector<16xi32>
        %parallel_loop3A_846 = tpu.vector_load_idx %arg9[%parallel_loop3A_845] : memref<3456xf32, #tpu.memory_space<vmem>>[vector<16xi32>], vector<16xf32>,
        %parallel_loop3A_847 = arith.mulf %parallel_loop3A_788, %get3A_703 : vector<16xf32>
        %parallel_loop3A_848 = arith.addf %parallel_loop3A_846, %parallel_loop3A_847 : vector<16xf32>
        %parallel_loop3A_849 = arith.constant 4 : i32
        %parallel_loop3A_850 = arith.index_cast %parallel_loop3A_794 : i32 to index
        %parallel_loop3A_851 = arith.index_cast %parallel_loop3A_849 : i32 to index
        %parallel_loop3A_852 = arith.index_cast %parallel_loop3A_798 : i32 to index
        %parallel_loop3A_853 = tpu.vector_load %arg18[%parallel_loop3A_850, %parallel_loop3A_851, %parallel_loop3A_852] {strides = array<i32>} : memref<32x8x128xf32, #tpu.memory_space<vmem>>, vector<16xf32>,
        tpu.vector_store %arg18[%parallel_loop3A_850, %parallel_loop3A_851, %parallel_loop3A_852], %parallel_loop3A_848 {strides = array<i32>} : memref<32x8x128xf32, #tpu.memory_space<vmem>>, vector<16xf32>,
        %parallel_loop3A_854 = arith.constant 5 : i32
        %parallel_loop3A_855 = vector.broadcast %parallel_loop3A_854 : i32 to vector<16xi32>
        %parallel_loop3A_856 = arith.addi %parallel_loop3A_792, %parallel_loop3A_855 : vector<16xi32>
        %parallel_loop3A_857 = tpu.vector_load_idx %arg9[%parallel_loop3A_856] : memref<3456xf32, #tpu.memory_space<vmem>>[vector<16xi32>], vector<16xf32>,
        %parallel_loop3A_858 = arith.mulf %parallel_loop3A_788, %get3A_709 : vector<16xf32>
        %parallel_loop3A_859 = arith.addf %parallel_loop3A_857, %parallel_loop3A_858 : vector<16xf32>
        %parallel_loop3A_860 = arith.constant 5 : i32
        %parallel_loop3A_861 = arith.index_cast %parallel_loop3A_794 : i32 to index
        %parallel_loop3A_862 = arith.index_cast %parallel_loop3A_860 : i32 to index
        %parallel_loop3A_863 = arith.index_cast %parallel_loop3A_798 : i32 to index
        %parallel_loop3A_864 = tpu.vector_load %arg18[%parallel_loop3A_861, %parallel_loop3A_862, %parallel_loop3A_863] {strides = array<i32>} : memref<32x8x128xf32, #tpu.memory_space<vmem>>, vector<16xf32>,
        tpu.vector_store %arg18[%parallel_loop3A_861, %parallel_loop3A_862, %parallel_loop3A_863], %parallel_loop3A_859 {strides = array<i32>} : memref<32x8x128xf32, #tpu.memory_space<vmem>>, vector<16xf32>,
        %parallel_loop3A_865 = arith.constant 6 : i32
        %parallel_loop3A_866 = vector.broadcast %parallel_loop3A_865 : i32 to vector<16xi32>
        %parallel_loop3A_867 = arith.addi %parallel_loop3A_792, %parallel_loop3A_866 : vector<16xi32>
        %parallel_loop3A_868 = tpu.vector_load_idx %arg9[%parallel_loop3A_867] : memref<3456xf32, #tpu.memory_space<vmem>>[vector<16xi32>], vector<16xf32>,
        %parallel_loop3A_869 = arith.mulf %parallel_loop3A_788, %get3A_715 : vector<16xf32>
        %parallel_loop3A_870 = arith.addf %parallel_loop3A_868, %parallel_loop3A_869 : vector<16xf32>
        %parallel_loop3A_871 = arith.constant 6 : i32
        %parallel_loop3A_872 = arith.index_cast %parallel_loop3A_794 : i32 to index
        %parallel_loop3A_873 = arith.index_cast %parallel_loop3A_871 : i32 to index
        %parallel_loop3A_874 = arith.index_cast %parallel_loop3A_798 : i32 to index
        %parallel_loop3A_875 = tpu.vector_load %arg18[%parallel_loop3A_872, %parallel_loop3A_873, %parallel_loop3A_874] {strides = array<i32>} : memref<32x8x128xf32, #tpu.memory_space<vmem>>, vector<16xf32>,
        tpu.vector_store %arg18[%parallel_loop3A_872, %parallel_loop3A_873, %parallel_loop3A_874], %parallel_loop3A_870 {strides = array<i32>} : memref<32x8x128xf32, #tpu.memory_space<vmem>>, vector<16xf32>,
        %parallel_loop3A_876 = arith.constant 7 : i32
        %parallel_loop3A_877 = vector.broadcast %parallel_loop3A_876 : i32 to vector<16xi32>
        %parallel_loop3A_878 = arith.addi %parallel_loop3A_792, %parallel_loop3A_877 : vector<16xi32>
        %parallel_loop3A_879 = tpu.vector_load_idx %arg9[%parallel_loop3A_878] : memref<3456xf32, #tpu.memory_space<vmem>>[vector<16xi32>], vector<16xf32>,
        %parallel_loop3A_880 = arith.mulf %parallel_loop3A_788, %get3A_721 : vector<16xf32>
        %parallel_loop3A_881 = arith.addf %parallel_loop3A_879, %parallel_loop3A_880 : vector<16xf32>
        %parallel_loop3A_882 = arith.constant 7 : i32
        %parallel_loop3A_883 = arith.index_cast %parallel_loop3A_794 : i32 to index
        %parallel_loop3A_884 = arith.index_cast %parallel_loop3A_882 : i32 to index
        %parallel_loop3A_885 = arith.index_cast %parallel_loop3A_798 : i32 to index
        %parallel_loop3A_886 = tpu.vector_load %arg18[%parallel_loop3A_883, %parallel_loop3A_884, %parallel_loop3A_885] {strides = array<i32>} : memref<32x8x128xf32, #tpu.memory_space<vmem>>, vector<16xf32>,
        tpu.vector_store %arg18[%parallel_loop3A_883, %parallel_loop3A_884, %parallel_loop3A_885], %parallel_loop3A_881 {strides = array<i32>} : memref<32x8x128xf32, #tpu.memory_space<vmem>>, vector<16xf32>,
      } {sc.loop_unroll_factor = 1 : i64, sc.parallel_access}
      %mul3A_726 = arith.constant 50 : i32
      %mul3A_727 = arith.muli %add3A, %mul3A_726 : i32
      %add3A_728 = arith.addi %mul3A_727, %add3A_387 : i32
      %jit3A_729 = arith.constant 200 : i32
      %eq3A_730 = arith.constant 0 : i32
      %eq3A_731 = arith.cmpi eq, %jit3A_729, %eq3A_730 : i32
      %jit3A_732 = arith.constant 1 : i32
      %select_n3A_733 = arith.select %eq3A_731, %jit3A_732, %jit3A_729 : i32
      %rem3A_734 = arith.remsi %add3A_728, %select_n3A_733 : i32
      %ne3A_735 = arith.constant 0 : i32
      %ne3A_736 = arith.cmpi ne, %rem3A_734, %ne3A_735 : i32
      %lt3A_737 = arith.constant 0 : i32
      %lt3A_738 = arith.cmpi slt, %rem3A_734, %lt3A_737 : i32
      %lt3A_739 = arith.constant 0 : i32
      %lt3A_740 = arith.cmpi slt, %select_n3A_733, %lt3A_739 : i32
      %ne3A_741 = arith.xori %lt3A_738, %lt3A_740 : i1
      %and3A_742 = arith.andi %ne3A_741, %ne3A_736 : i1
      %add3A_743 = arith.addi %rem3A_734, %select_n3A_733 : i32
      %select_n3A_744 = arith.select %and3A_742, %add3A_743, %rem3A_734 : i32
      %jit3A_745 = arith.constant 200 : i32
      %div3A_746 = arith.divsi %add3A_728, %jit3A_745 : i32
      %sign3A_747 = arith.constant 0 : i32
      %sign3A_748 = arith.cmpi sgt, %add3A_728, %sign3A_747 : i32
      %sign3A_749 = arith.extui %sign3A_748 : i1 to i32
      %sign3A_750 = arith.constant 0 : i32
      %sign3A_751 = arith.cmpi slt, %add3A_728, %sign3A_750 : i32
      %sign3A_752 = arith.extui %sign3A_751 : i1 to i32
      %sign3A_753 = arith.subi %sign3A_749, %sign3A_752 : i32
      %sign3A_754 = arith.constant 0 : i32
      %sign3A_755 = arith.cmpi sgt, %jit3A_745, %sign3A_754 : i32
      %sign3A_756 = arith.extui %sign3A_755 : i1 to i32
      %sign3A_757 = arith.constant 0 : i32
      %sign3A_758 = arith.cmpi slt, %jit3A_745, %sign3A_757 : i32
      %sign3A_759 = arith.extui %sign3A_758 : i1 to i32
      %sign3A_760 = arith.subi %sign3A_756, %sign3A_759 : i32
      %ne3A_761 = arith.cmpi ne, %sign3A_753, %sign3A_760 : i32
      %rem3A_762 = arith.remsi %add3A_728, %jit3A_745 : i32
      %ne3A_763 = arith.constant 0 : i32
      %ne3A_764 = arith.cmpi ne, %rem3A_762, %ne3A_763 : i32
      %and3A_765 = arith.andi %ne3A_761, %ne3A_764 : i1
      %sub3A_766 = arith.constant 1 : i32
      %sub3A_767 = arith.subi %div3A_746, %sub3A_766 : i32
      %select_n3A_768 = arith.select %and3A_765, %sub3A_767, %div3A_746 : i32
      %dma_start3A_769 = arith.constant 0 : i32
      %dma_start3A_770 = arith.constant 0 : i32
      %dma_start3A_771 = arith.constant 0 : i32
      %dma_start3A_772 = tpu.memref_slice %arg7[%select_n3A_744, %select_n3A_768, %dma_start3A_769, %dma_start3A_770, %dma_start3A_771] : memref<200x8x32x8x128xf32, #tpu.memory_space<hbm>> -> memref<1x1x32x8x128xf32, #tpu.memory_space<hbm>>
      %dma_start3A_773 = tpu.memref_squeeze %dma_start3A_772 : memref<1x1x32x8x128xf32, #tpu.memory_space<hbm>> -> memref<32x8x128xf32, #tpu.memory_space<hbm>>
      %dma_start3A_774 = arith.constant 0 : i32
      %dma_start3A_775 = arith.constant 0 : i32
      %dma_start3A_776 = arith.constant 0 : i32
      %dma_start3A_777 = tpu.memref_slice %arg7[%select_n3A_744, %select_n3A_768, %dma_start3A_774, %dma_start3A_775, %dma_start3A_776] : memref<200x8x32x8x128xf32, #tpu.memory_space<hbm>> -> memref<1x1x32x8x128xf32, #tpu.memory_space<hbm>>
      %dma_start3A_778 = tpu.memref_squeeze %dma_start3A_777 : memref<1x1x32x8x128xf32, #tpu.memory_space<hbm>> -> memref<32x8x128xf32, #tpu.memory_space<hbm>>
      tpu.enqueue_dma source(%arg18 : memref<32x8x128xf32, #tpu.memory_space<vmem>>) target(%dma_start3A_778 : memref<32x8x128xf32, #tpu.memory_space<hbm>>) target_semaphore(%arg22 : memref<!tpu.dma_semaphore, #tpu.memory_space<semaphore_mem>>)
      %scan3A_779 = arith.constant 0 : i32
      scf.yield %scan3A_779 : i32
    }
    %scan3A_358 = arith.constant 25 : i32
    %dma_wait3A = arith.constant 0 : i32
    %dma_wait3A_359 = arith.constant 0 : i32
    %dma_wait3A_360 = arith.constant 0 : i32
    %dma_wait3A_361 = arith.constant 0 : i32
    %dma_wait3A_362 = arith.constant 0 : i32
    %dma_wait3A_363 = tpu.memref_slice %arg7[%dma_wait3A, %dma_wait3A_359, %dma_wait3A_360, %dma_wait3A_361, %dma_wait3A_362] : memref<200x8x32x8x128xf32, #tpu.memory_space<hbm>> -> memref<1x1x32x8x128xf32, #tpu.memory_space<hbm>>
    %dma_wait3A_364 = tpu.memref_squeeze %dma_wait3A_363 : memref<1x1x32x8x128xf32, #tpu.memory_space<hbm>> -> memref<32x8x128xf32, #tpu.memory_space<hbm>>
    %dma_wait3A_365 = arith.constant 0 : i32
    %dma_wait3A_366 = arith.constant 0 : i32
    %dma_wait3A_367 = arith.constant 0 : i32
    %dma_wait3A_368 = tpu.memref_slice %arg7[%dma_wait3A, %dma_wait3A_359, %dma_wait3A_365, %dma_wait3A_366, %dma_wait3A_367] : memref<200x8x32x8x128xf32, #tpu.memory_space<hbm>> -> memref<1x1x32x8x128xf32, #tpu.memory_space<hbm>>
    %dma_wait3A_369 = tpu.memref_squeeze %dma_wait3A_368 : memref<1x1x32x8x128xf32, #tpu.memory_space<hbm>> -> memref<32x8x128xf32, #tpu.memory_space<hbm>>
    tpu.wait_dma2 semaphore(%arg21 : memref<!tpu.dma_semaphore, #tpu.memory_space<semaphore_mem>>) src(%dma_wait3A_369 : memref<32x8x128xf32, #tpu.memory_space<hbm>>) dst(%arg15 : memref<32x8x128xf32, #tpu.memory_space<vmem>>)
    %dma_wait3A_370 = arith.constant 0 : i32
    %dma_wait3A_371 = arith.constant 0 : i32
    %dma_wait3A_372 = arith.constant 0 : i32
    %dma_wait3A_373 = arith.constant 0 : i32
    %dma_wait3A_374 = arith.constant 0 : i32
    %dma_wait3A_375 = tpu.memref_slice %arg7[%dma_wait3A_370, %dma_wait3A_371, %dma_wait3A_372, %dma_wait3A_373, %dma_wait3A_374] : memref<200x8x32x8x128xf32, #tpu.memory_space<hbm>> -> memref<1x1x32x8x128xf32, #tpu.memory_space<hbm>>
    %dma_wait3A_376 = tpu.memref_squeeze %dma_wait3A_375 : memref<1x1x32x8x128xf32, #tpu.memory_space<hbm>> -> memref<32x8x128xf32, #tpu.memory_space<hbm>>
    %dma_wait3A_377 = arith.constant 0 : i32
    %dma_wait3A_378 = arith.constant 0 : i32
    %dma_wait3A_379 = arith.constant 0 : i32
    %dma_wait3A_380 = tpu.memref_slice %arg7[%dma_wait3A_370, %dma_wait3A_371, %dma_wait3A_377, %dma_wait3A_378, %dma_wait3A_379] : memref<200x8x32x8x128xf32, #tpu.memory_space<hbm>> -> memref<1x1x32x8x128xf32, #tpu.memory_space<hbm>>
    %dma_wait3A_381 = tpu.memref_squeeze %dma_wait3A_380 : memref<1x1x32x8x128xf32, #tpu.memory_space<hbm>> -> memref<32x8x128xf32, #tpu.memory_space<hbm>>
    tpu.wait_dma2 semaphore(%arg22 : memref<!tpu.dma_semaphore, #tpu.memory_space<semaphore_mem>>) src(%dma_wait3A_381 : memref<32x8x128xf32, #tpu.memory_space<hbm>>) dst(%arg18 : memref<32x8x128xf32, #tpu.memory_space<vmem>>)
    return
  }
}

</mosaic_0001>

<sc_bundles>
// kernel: _run.3.cloned.1.call-start
scs
__scs_entry_jumppad:
0x0: {  	(pc) =	sbr.rel $0x88, $3  }
0x1: {  	(tag) =	ssettag $0x0;
	lr =	simm.s32 $0x1  }
0x2: {  	[smem:$0x3F9C] =	sst lr;
	_ =	strace $0xD0000000  }
0x3: {  	_ = 	snop  }
0x4: {  	_ = 	snop  }
0x5: {  	_ = 	snop  }
0x6: {  	_ = 	snop  }
0x7: {  	_ = 	snop  }
__scs_overlays_trampoline_lowered:
0x8: {  	[smem:$0x3FAB] =	sst s0  }
0x9: {  	[smem:$0x3FAC] =	sst s1  }
0xa: {  	[smem:$0x3FAD] =	sst s2  }
0xb: {  	[smem:$0x3FAE] =	sst s3  }
0xc: {  	[smem:$0x3FAF] =	sst s4  }
0xd: {  	[smem:$0x3FB0] =	sst s5  }
0xe: {  	[smem:$0x3FB1] =	sst s6  }
0xf: {  	[smem:$0x3FB2] =	sst s7  }
0x10: {  	[smem:$0x3FB3] =	sst s8  }
0x11: {  	[smem:$0x3FB4] =	sst s9;
	s0 =	simm.s32 @!p0 $0x0  }
0x12: {  	s1 =	sld [smem:$0x3F9A];
	s0 =	simm.s32 @p0 $0x1  }
0x13: {  	[smem:$0x3FB5] =	sst s0;
	s0 =	simm.s32 @!p1 $0x0  }
0x14: {  	s2 =	sld [smem:$0x3F99];
	s0 =	simm.s32 @p1 $0x1  }
0x15: {  	[smem:$0x3FB6] =	sst s0;
	s0 =	simm.s32 @!p2 $0x0  }
0x16: {  	s3 =	sld [smem:$0x3FDB];
	s0 =	simm.s32 @p2 $0x1  }
0x17: {  	s4 =	simm.s32 $0x1BF5;
	[smem:$0x3FB8] =	sst s0  }
0x18: {  	s0 =	sld [smem:$0x3F9B];
	_ =	swait.ge [sflag:s4], $0x0  }
0x19: {  	s7 =	sld [smem:$0x3F9C]  }
0x1a: {  	s8 =	sadd.s32 $0xFFFFE003, lr  }
0x1b: {  	s9 =	sadd.s32 $0xFFFFFEF7, lr;
	s5 =	simm.s32 $0xFFFFFFFF;
	p2 =	slt.u32 s8, $0xFFFFF086  }
0x1c: {  	p1 =	slt.u32 s9, $0xF7A;
	s5 =	simm.s32 @!p2 $0x0  }
0x1d: {  	s5 =	simm.s32 @p1 $0x1;
	p0 =	seq.s32 s7, s2  }
0x1e: {  	s7 =	smul.u32 @!p0 $0xF7A, s2;
	p2 =	seq.s32 @!p0 s5, $0x0  }
0x1f: {  	s9 =	smul.u32 $0xF7A, s1;
	s8 =	simm.s32 @!p0 $0x1BF5;
	p2 =	por !p2, p0  }
0x20: {  	[sflag:s8] =	ssyncset.s32 @!p0 $0xFFFFF086;
	s6 =	sadd.s32 @!p0 s3, s7;
	s7 =	simm.s32 @!p0 $0x108  }
0x21: {  	s3 =	sadd.s32 s3, s9;
	s6 =	sadd.s32 @!p0 $0x88, s6;
	s7 =	simm.s32 @p2 $0x1082  }
0x22: {  	[simem:s7], [sflag:s8] =	dma.local @!p0 [hbm:s6], $0xF7A  }
0x23: {  	s9 =	sor.u32 $0xD0000000, s2;
	s6 =	simm.s32 $0x108;
	_ =	swait.ge @!p0 [sflag:s8], $0x0  }
0x24: {  	s3 =	sadd.s32 $0x88, s3;
	s6 =	simm.s32 @!p1 $0x1082;
	[sflag:s4] =	ssyncset.s32 $0xFFFFF086  }
0x25: {  	[simem:s6], [sflag:s4] =	dma.local [hbm:s3], $0xF7A  }
0x26: {  	[smem:$0x3F9C] =	sst s1;
	(tag) =	ssettag s2;
	_ =	strace s9  }
0x27: {  	s1 =	sld [smem:$0x3FAC]  }
0x28: {  	s2 =	sld [smem:$0x3FAD]  }
0x29: {  	s4 =	sld [smem:$0x3FAF]  }
0x2a: {  	p0 =	seq.s32 s5, $0x0;
	s5 =	sld [smem:$0x3FB0]  }
0x2b: {  	s6 =	sld [smem:$0x3FB1]  }
0x2c: {  	s7 =	sld [smem:$0x3FB2]  }
0x2d: {  	s3 =	simm.s32 $0x108;
	s8 =	sld [smem:$0x3FB3]  }
0x2e: {  	s3 =	simm.s32 @!p0 $0x1082;
	s9 =	sld [smem:$0x3FB4]  }
0x2f: {  	lr =	sadd.s32 s0, s3;
	s0 =	sld [smem:$0x3FAB]  }
0x30: {  	s3 =	sld [smem:$0x3FAE]  }
0x31: {  	[smem:$0x3FB7] =	sst s10  }
0x32: {  	s10 =	sld [smem:$0x3FB5];
	_ =	sdelay $0x3  }
0x33: {  	p0 =	seq.s32 s10, $0x1;
	s10 =	sld [smem:$0x3FB7];
	_ =	sdelay $0x3  }
0x34: {  	[smem:$0x3FB7] =	sst s10  }
0x35: {  	s10 =	sld [smem:$0x3FB6];
	_ =	sdelay $0x3  }
0x36: {  	p1 =	seq.s32 s10, $0x1;
	s10 =	sld [smem:$0x3FB7];
	_ =	sdelay $0x3  }
0x37: {  	[smem:$0x3FB7] =	sst s10  }
0x38: {  	s10 =	sld [smem:$0x3FB8]  }
0x39: {  	_ = 	snop;
	(pc) =	sbr.ind lr, $3  }
0x3a: {  	_ = 	snop  }
0x3b: {  	_ = 	snop  }
0x3c: {  	p2 =	seq.s32 s10, $0x1;
	s10 =	sld [smem:$0x3FB7]  }
0x3d: {  	_ =	shalt  }
0x3e: {  	_ =	shalt  }
0x3f: {  	_ =	shalt  }
0x40: {  	_ =	shalt  }
0x41: {  	_ =	shalt  }
0x42: {  	_ =	shalt  }
0x43: {  	_ =	shalt  }
0x44: {  	_ =	shalt  }
0x45: {  	_ =	shalt  }
0x46: {  	_ =	shalt  }
0x47: {  	_ =	shalt  }
0x48: {  	_ =	shalt  }
0x49: {  	_ =	shalt  }
0x4a: {  	_ =	shalt  }
0x4b: {  	_ =	shalt  }
0x4c: {  	_ =	shalt  }
0x4d: {  	_ =	shalt  }
0x4e: {  	_ =	shalt  }
0x4f: {  	_ =	shalt  }
0x50: {  	_ =	shalt  }
0x51: {  	_ =	shalt  }
0x52: {  	_ =	shalt  }
0x53: {  	_ =	shalt  }
0x54: {  	_ =	shalt  }
0x55: {  	_ =	shalt  }
0x56: {  	_ =	shalt  }
0x57: {  	_ =	shalt  }
0x58: {  	_ =	shalt  }
0x59: {  	_ =	shalt  }
0x5a: {  	_ =	shalt  }
0x5b: {  	_ =	shalt  }
0x5c: {  	_ =	shalt  }
0x5d: {  	_ =	shalt  }
0x5e: {  	_ =	shalt  }
0x5f: {  	_ =	shalt  }
0x60: {  	_ =	shalt  }
0x61: {  	_ =	shalt  }
0x62: {  	_ =	shalt  }
0x63: {  	_ =	shalt  }
0x64: {  	_ =	shalt  }
0x65: {  	_ =	shalt  }
0x66: {  	_ =	shalt  }
0x67: {  	_ =	shalt  }
0x68: {  	_ =	shalt  }
0x69: {  	_ =	shalt  }
0x6a: {  	_ =	shalt  }
0x6b: {  	_ =	shalt  }
0x6c: {  	_ =	shalt  }
0x6d: {  	_ =	shalt  }
0x6e: {  	_ =	shalt  }
0x6f: {  	_ =	shalt  }
0x70: {  	_ =	shalt  }
0x71: {  	_ =	shalt  }
0x72: {  	_ =	shalt  }
0x73: {  	_ =	shalt  }
0x74: {  	_ =	shalt  }
0x75: {  	_ =	shalt  }
0x76: {  	_ =	shalt  }
0x77: {  	_ =	shalt  }
0x78: {  	_ =	shalt  }
0x79: {  	_ =	shalt  }
0x7a: {  	_ =	shalt  }
0x7b: {  	_ =	shalt  }
0x7c: {  	_ =	shalt  }
0x7d: {  	_ =	shalt  }
0x7e: {  	_ =	shalt  }
0x7f: {  	_ =	shalt  }
0x80: {  	_ =	shalt  }
0x81: {  	_ =	shalt  }
0x82: {  	_ =	shalt  }
0x83: {  	_ =	shalt  }
0x84: {  	_ =	shalt  }
0x85: {  	_ =	shalt  }
0x86: {  	_ =	shalt  }
0x87: {  	_ =	shalt  }
.Lfunc_end0:
.L_simem_size_0:
called_computation_lowered:
.L_overlay_start_0:
0x88: {  	s2 =	sld [smem:$0x3FD9]  }
0x89: {  	s3 =	sld [smem:$0x3FFE];
	_ =	sdelay $0x1  }
0x8a: {  	s1 =	srdreg.scid  }
0x8b: {  	s0 =	sand.u32 $0x1, s1  }
0x8c: {  	s18 =	sshll.u32 s0, $0xA;
	s2 =	sadd.s32 s3, s2  }
0x8d: {  	s2 =	sadd.s32 s2, s18  }
0x8e: {  	[smem:$0x3FC3] =	sst s2  }
0x8f: {  	_ = 	snop  }
0x90: {  	s2 =	sld [smem:$0x3FC9]  }
0x91: {  	s19 =	sld [smem:$0x3FC8]  }
0x92: {  	s4 =	sld [smem:$0x3FC7]  }
0x93: {  	s5 =	sld [smem:$0x3FC6]  }
0x94: {  	s6 =	sld [smem:$0x3FC5]  }
0x95: {  	s7 =	sld [smem:$0x3FD0];
	(tm) =	ssettm $0x1  }
0x96: {  	s8 =	sld [smem:$0x3FFB];
	_ =	sdelay $0x3  }
0x97: {  	_ =	strace s8  }
0x98: {  	s8 =	sld [smem:$0x3FFC];
	_ =	sdelay $0x3  }
0x99: {  	_ =	strace s8  }
0x9a: {  	s8 =	sld [smem:$0x3FFD];
	_ =	sdelay $0x3  }
0x9b: {  	_ =	strace s8  }
0x9c: {  	_ =	strace $0x8FFFFFFF  }
0x9d: {  	s20 =	sld [smem:$0x3FDB];
	_ =	sdelay $0x1  }
0x9e: {  	s9 =	simm.s32 $_scs_section_size  }
0x9f: {  	s10 =	simm.s32 $_size__tile_overlayer_lowered;
	s11 =	simm.s32 $_tile_overlayer_lowered  }
0xa0: {  	s23 =	simm.s32 $0x1BFF;
	s22 =	sshll.u32 s11, $0x1;
	s8 =	sadd.s32 s9, s20  }
0xa1: {  	s12 =	simm.s32 $0x0;
	s21 =	sshll.u32 s10, $0x1;
	s10 =	sadd.s32 s22, s8  }
0xa2: {  	[timem:s12], [sflag:s23] =	dma.local [hbm:s10], s21  }
0xa3: {  	_ =	swait.ge [sflag:s23], s21  }
0xa4: {  	s9 =	ssub.s32 $0x0, s21;
	[sflag:s23] =	ssyncset.done $0x0  }
0xa5: {  	[sflag:s23] =	ssyncadd.s32 s9;
	_ =	sdelay $0x1  }
0xa6: {  	s24 =	simm.s32 $0x1B8B  }
0xa7: {  	_ =	swait.ge [sflag:s24], $0x1  }
0xa8: {  	[sflag:s24] =	ssyncset.done $0x0  }
0xa9: {  	s25 =	simm.s32 $0x1B8E;
	[sflag:s24] =	ssyncadd.s32 $0xFFFFFFFF  }
0xaa: {  	s26 =	simm.s32 $execute0_lowered;
	[smem:$0x3FD2] =	sst s25  }
0xab: {  	s9 =	sshll.u32 s26, $0x1;
	_ =	strace $0x80000046;
	[dreg:$0x1] =	wrdreg $0xFFFFFFFF  }
0xac: {  	s28 =	simm.s32 $_size_execute0_lowered;
	s8 =	sadd.s32 s8, s9;
	[dreg:$0x0] =	wrdreg $0x0  }
0xad: {  	s9 =	sshll.u32 s28, $0x1;
	[dreg:$0x2] =	wrdreg s8  }
0xae: {  	[dreg:$0x3] =	wrdreg s9  }
0xaf: {  	[dreg:$0x4] =	wrdreg $0xC0  }
0xb0: {  	_ =	task [dreg:s12], $0x5FFFF  }
0xb1: {  	[dreg:$0x1] =	wrdreg $0xFFFFFFFF  }
0xb2: {  	[dreg:$0x0] =	wrdreg $0x60  }
0xb3: {  	[dreg:$0x2] =	wrdreg s2  }
0xb4: {  	[dreg:$0x3] =	wrdreg s19  }
0xb5: {  	[dreg:$0x4] =	wrdreg s4  }
0xb6: {  	[dreg:$0x5] =	wrdreg s5  }
0xb7: {  	[dreg:$0x6] =	wrdreg s6  }
0xb8: {  	[dreg:$0x7] =	wrdreg s7  }
0xb9: {  	[dreg:$0x8] =	wrdreg $0x9  }
0xba: {  	_ =	task.clear_ibuf [dreg:s12], $0x9FFFF;
	_ =	strace $0x90000046  }
0xbb: {  	s29 =	simm.s32 $0x9;
	_ =	strace $0x80000048  }
0xbc: {  	_ =	swait.ge [sflag:s29], $0x1  }
0xbd: {  	[sflag:s29] =	ssyncadd.s32 $0xFFFFFFFF  }
0xbe: {  	_ =	strace $0x90000048  }
0xbf: {  	_ =	sfence  }
0xc0: {  	s30 =	sld [smem:$0x0];
	_ =	sdelay $0x2  }
0xc1: {  	s31 =	sshll.u32 s1, $0xD;
	s1 =	sshrl.u32 s1, $0x2  }
0xc2: {  	s3 =	sand.u32 $0x4000, s31;
	s1 =	sadd.s32 s1, s30  }
0xc3: {  	s0 =	sor.u32 s3, s0;
	s1 =	sshll.u32 s1, $0x11  }
0xc4: {  	s0 =	sor.u32 s1, s0  }
0xc5: {  	s0 =	sadd.s32 $0x8F2B, s0  }
0xc6: {  	[sflag:s0] =	ssyncadd.remote.s32 $0x1  }
0xc7: {  	_ =	sfence.sel $0xFFFF  }
0xc8: {  	[dreg:$0x0] =	wrdreg $0xFFFFFFFF;
	(pc) =	sbr.abs _section_cstart, $3  }
0xc9: {  	[dreg:$0x1] =	wrdreg $0xFFFFFFFF  }
0xca: {  	_ =	task.clear_ibuf [dreg:s12], $0x2FFFF;
	_ =	strace $0x9FFFFFFF  }
0xcb: {  	(tm) =	ssettm $0x7FFFFFFF  }
tec
execute0_lowered:
.L_overlay_start_1:
0x0: {  	(tag) =	ssettag $0x1  }
0x1: {  	s0 =	srdreg.scid;
	s1 =	stileid.u32  }
0x2: {  	s0 =	sand.u32 $0x1, s0;
	s1 =	sshll.u32 s1, $0x1  }
0x3: {  	s1 =	sor.u32 s0, s1  }
0x4: {  	s2 =	smul.u32 $0x1000E, s1  }
0x5: {  	s15 =	rddreg [dreg:$0x0]  }
0x6: {  	s28 =	rddreg [dreg:$0x1];
	s4 =	smul.u32 $0x32, s1;
	s25 =	sshrl.u32 s2, $0x12  }
0x7: {  	s31 =	rddreg [dreg:$0x5];
	s24 =	simm.s32 $0x0;
	s1 =	smul.u32 $0xC8, s25  }
0x8: {  	[smem:$0x7FF] =	sst s24;
	s0 =	ssub.s32 $0x2, s0  }
0x9: {  	_ =	strace $0x80000047;
	s3 =	sshrl.u32 s0, $0x1;
	s1 =	ssub.s32 s4, s1  }
0xa: {  	s0 =	ssub.s32 s0, s3;
	s26 =	sshll.u32 s1, $0x9;
	s1 =	sshll.u32 s1, $0x4  }
0xb: {  	[dreg:$0x7] =	wrdreg s4;
	s30 =	sadd.s32 $0x2, s4;
	s1 =	sor.u32 s1, s26  }
0xc: {  	s0 =	smax.u32 s0, $0x1;
	[dreg:$0xa] =	wrdreg s30;
	s1 =	sand.u32 $0x1F060, s1  }
0xd: {  	[dreg:$0xb] =	wrdreg s0;
	s29 =	sadd.s32 s15, s1  }
0xe: {  	s21 =	simm.s32 $0xD80;
	s1 =	sadd.s32 s28, s1;
	[dreg:$0x8] =	wrdreg s29  }
0xf: {  	v0 =	vlaneseq.u32;
	s2 =	simm.s32 $0x0;
	s26 =	simm.s32 $0x2;
	[dreg:$0x9] =	wrdreg s1  }
.LBB2_1:
0x10: {  	[dreg:$0xc] =	wrdreg s2  }
0x11: {  	s0 =	rddreg [dreg:$0x8]  }
0x12: {  	s1 =	simm.s32 $0x80;
	s13 =	simm.s32 $0x400;
	s3 =	simm.s32 $0x2000  }
0x13: {  	[tilespmem:s3], [sflag:$0x1] =	stream.strided.gather [hbm4b:s0+s1], $0x1000, s13, s1, $0x38;
	[tilespmem:$0x16000] =	vst v63  }
0x14: {  	s14 =	rddreg [dreg:$0x9];
	s16 =	simm.s32 $0x3000  }
0x15: {  	[tilespmem:s16], [sflag:$0x1] =	stream.strided.gather [hbm4b:s14+s1], $0x1000, s13, s1, $0x38;
	[tilespmem:$0x16000] =	vst v63  }
0x16: {  	s17 =	rddreg [dreg:$0x2];
	s18 =	simm.s32 $0x5  }
0x17: {  	[tilespmem:s24], [sflag:$0x5] =	stream.linear.gather [hbm4b:s17+s24], $0xD80, $0x38;
	[tilespmem:$0x16000] =	vst v63  }
0x18: {  	_ =	swait.ge [sflag:s18], $0xD80  }
0x19: {  	[sflag:s18] =	ssyncset.done $0x0  }
0x1a: {  	[sflag:s18] =	ssyncadd.s32 $0xFFFFF280  }
0x1b: {  	s20 =	simm.s32 $0x1B00;
	s19 =	rddreg [dreg:$0x3]  }
0x1c: {  	[tilespmem:s20], [sflag:$0x5] =	stream.linear.gather [hbm4b:s19+s24], $0x80, $0x38;
	[tilespmem:$0x16000] =	vst v63  }
0x1d: {  	_ =	swait.ge [sflag:s18], $0x80  }
0x1e: {  	[sflag:s18] =	ssyncset.done $0x0  }
0x1f: {  	[sflag:s18] =	ssyncadd.s32 $0xFFFFFF80  }
0x20: {  	s23 =	simm.s32 $0x1B80;
	s22 =	rddreg [dreg:$0x4]  }
0x21: {  	[tilespmem:s23], [sflag:$0x5] =	stream.linear.gather [hbm4b:s22+s24], $0x80, $0x38;
	[tilespmem:$0x16000] =	vst v63  }
0x22: {  	_ =	swait.ge [sflag:s18], $0x80  }
0x23: {  	[sflag:s18] =	ssyncset.done $0x0  }
0x24: {  	s0 =	simm.s32 $0x20;
	[sflag:s18] =	ssyncadd.s32 $0xFFFFFF80  }
0x25: {  	v1 =	vld [tilespmem:s0+$0xFFFFFFE0]  }
0x26: {  	v2 =	vld [tilespmem:$0x1B80]  }
0x27: {  	s24 =	simm.s32 $0x0  }
0x28: {  	v3 =	vadd.s32 s24, v0;
	_ =	sdelay $0x2  }
0x29: {  	v1 =	vadd.f32 v2, v1;
	_ =	sdelay $0x1  }
0x2a: {  	[tilespmem:v3+s21+$0x0] =	vst.idx.msk $0xffff, v1  }
0x2b: {  	v1 =	vld [tilespmem:s0+$0xFFFFFFF0]  }
0x2c: {  	v2 =	vld [tilespmem:$0x1B90]  }
0x2d: {  	s25 =	simm.s32 $0x10  }
0x2e: {  	v3 =	vadd.s32 s25, v0;
	_ =	sdelay $0x2  }
0x2f: {  	v1 =	vadd.f32 v2, v1;
	_ =	sdelay $0x1  }
0x30: {  	[tilespmem:v3+s21+$0x0] =	vst.idx.msk $0xffff, v1  }
0x31: {  	v1 =	vld [tilespmem:s0+$0x0]  }
0x32: {  	v2 =	vld [tilespmem:$0x1BA0]  }
0x33: {  	s29 =	simm.s32 $0x20  }
0x34: {  	v3 =	vadd.s32 s29, v0;
	_ =	sdelay $0x2  }
0x35: {  	v1 =	vadd.f32 v2, v1;
	_ =	sdelay $0x1  }
0x36: {  	[tilespmem:v3+s21+$0x0] =	vst.idx.msk $0xffff, v1  }
0x37: {  	s30 =	simm.s32 $0x30;
	v2 =	vld [tilespmem:s0+$0x10]  }
0x38: {  	s1 =	simm.s32 $0x71;
	v1 =	vadd.s32 s30, v0;
	v3 =	vld [tilespmem:$0x1BB0]  }
.LBB2_2:
0x39: {  	_ =	sdelay $0x1  }
0x3a: {  	p0 =	sne.s32 s1, $0xD64  }
0x3b: {  	s0 =	sadd.s32 $0x40, s0;
	s2 =	smov.u32 s1;
	s1 =	sadd.s32 $0x41, s1  }
0x3c: {  	v2 =	vadd.f32 v3, v2;
	_ =	sdelay $0x1  }
0x3d: {  	[tilespmem:v1+s21+$0x0] =	vst.idx.msk $0xffff, v2  }
0x3e: {  	v1 =	vld [tilespmem:s0+$0xFFFFFFE0]  }
0x3f: {  	v2 =	vld [tilespmem:$0x1B80]  }
0x40: {  	s3 =	sadd.s32 $0xFFFFFFD0, s2  }
0x41: {  	v3 =	vadd.s32 s3, v0;
	_ =	sdelay $0x2  }
0x42: {  	v1 =	vadd.f32 v2, v1;
	_ =	sdelay $0x1  }
0x43: {  	[tilespmem:v3+s21+$0x0] =	vst.idx.msk $0xffff, v1  }
0x44: {  	v1 =	vld [tilespmem:s0+$0xFFFFFFF0]  }
0x45: {  	s3 =	sadd.s32 $0xFFFFFFE0, s2;
	v2 =	vld [tilespmem:$0x1B90]  }
0x46: {  	v3 =	vadd.s32 s3, v0;
	_ =	sdelay $0x3  }
0x47: {  	v1 =	vadd.f32 v2, v1;
	_ =	sdelay $0x1  }
0x48: {  	[tilespmem:v3+s21+$0x0] =	vst.idx.msk $0xffff, v1  }
0x49: {  	s3 =	sadd.s32 $0xFFFFFFF0, s2;
	v1 =	vld [tilespmem:s0+$0x0]  }
0x4a: {  	v3 =	vadd.s32 s3, v0;
	v2 =	vld [tilespmem:$0x1BA0];
	_ =	sdelay $0x4  }
.Ltmp0:
0x4b: {  	v1 =	vadd.f32 v2, v1;
	(pc) =	sbr.rel @p0 .LBB2_2-.Ltmp0, $4  }
0x4c: {  	_ = 	snop  }
0x4d: {  	[tilespmem:v3+s21+$0x0] =	vst.idx.msk $0xffff, v1  }
0x4e: {  	v1 =	vadd.s32 s2, v0;
	v2 =	vld [tilespmem:s0+$0x10]  }
0x4f: {  	v3 =	vld [tilespmem:$0x1BB0]  }
0x50: {  	_ =	sdelay $0x3  }
0x51: {  	v2 =	vadd.f32 v3, v2;
	_ =	sdelay $0x1  }
0x52: {  	[tilespmem:v1+s21+$0x0] =	vst.idx.msk $0xffff, v2  }
0x53: {  	v1 =	vld [tilespmem:$0x1B00];
	_ =	sdelay $0x4  }
0x54: {  	v2 =	vbroadcast v1, $0x0  }
0x55: {  	v3 =	vbroadcast v1, $0x1  }
0x56: {  	[tilespmem:$0x1C00] =	vst v2;
	v2 =	vbroadcast v1, $0x2  }
0x57: {  	[tilespmem:$0x1C10] =	vst v3;
	v3 =	vbroadcast v1, $0x3  }
0x58: {  	[tilespmem:$0x1C20] =	vst v2;
	v2 =	vbroadcast v1, $0x4  }
0x59: {  	[tilespmem:$0x1C30] =	vst v3;
	v3 =	vbroadcast v1, $0x5  }
0x5a: {  	[tilespmem:$0x1C40] =	vst v2;
	v2 =	vbroadcast v1, $0x6  }
0x5b: {  	[tilespmem:$0x1C50] =	vst v3;
	v3 =	vbroadcast v1, $0x7  }
0x5c: {  	[tilespmem:$0x1C60] =	vst v2;
	v2 =	vbroadcast v1, $0x8  }
0x5d: {  	[tilespmem:$0x1C70] =	vst v3;
	v3 =	vbroadcast v1, $0x9  }
0x5e: {  	[tilespmem:$0x1C80] =	vst v2;
	v2 =	vbroadcast v1, $0xA  }
0x5f: {  	v4 =	vld [tilespmem:$0x1B10];
	[tilespmem:$0x1C90] =	vst v3;
	v3 =	vbroadcast v1, $0xB  }
0x60: {  	[tilespmem:$0x1CA0] =	vst v2;
	v2 =	vbroadcast v1, $0xC  }
0x61: {  	[tilespmem:$0x1CB0] =	vst v3;
	v3 =	vbroadcast v1, $0xD  }
0x62: {  	[tilespmem:$0x1CC0] =	vst v2;
	v2 =	vbroadcast v1, $0xE  }
0x63: {  	[tilespmem:$0x1CD0] =	vst v3;
	v1 =	vbroadcast v1, $0xF  }
0x64: {  	[tilespmem:$0x1CE0] =	vst v2;
	v2 =	vbroadcast v4, $0x0  }
0x65: {  	[tilespmem:$0x1CF0] =	vst v1;
	v1 =	vbroadcast v4, $0x1  }
0x66: {  	[tilespmem:$0x1D00] =	vst v2;
	v2 =	vbroadcast v4, $0x2  }
0x67: {  	[tilespmem:$0x1D10] =	vst v1;
	v1 =	vbroadcast v4, $0x3  }
0x68: {  	[tilespmem:$0x1D20] =	vst v2;
	v2 =	vbroadcast v4, $0x4  }
0x69: {  	[tilespmem:$0x1D30] =	vst v1;
	v1 =	vbroadcast v4, $0x5  }
0x6a: {  	[tilespmem:$0x1D40] =	vst v2;
	v2 =	vbroadcast v4, $0x6  }
0x6b: {  	[tilespmem:$0x1D50] =	vst v1;
	v1 =	vbroadcast v4, $0x7  }
0x6c: {  	[tilespmem:$0x1D60] =	vst v2;
	v2 =	vbroadcast v4, $0x8  }
0x6d: {  	[tilespmem:$0x1D70] =	vst v1;
	v1 =	vbroadcast v4, $0x9  }
0x6e: {  	[tilespmem:$0x1D80] =	vst v2;
	v2 =	vbroadcast v4, $0xA  }
0x6f: {  	v3 =	vld [tilespmem:$0x1B20];
	[tilespmem:$0x1D90] =	vst v1;
	v1 =	vbroadcast v4, $0xB  }
0x70: {  	[tilespmem:$0x1DA0] =	vst v2;
	v2 =	vbroadcast v4, $0xC  }
0x71: {  	[tilespmem:$0x1DB0] =	vst v1;
	v1 =	vbroadcast v4, $0xD  }
0x72: {  	[tilespmem:$0x1DC0] =	vst v2;
	v2 =	vbroadcast v4, $0xE  }
0x73: {  	[tilespmem:$0x1DD0] =	vst v1;
	v1 =	vbroadcast v4, $0xF  }
0x74: {  	[tilespmem:$0x1DE0] =	vst v2;
	v2 =	vbroadcast v3, $0x0  }
0x75: {  	[tilespmem:$0x1DF0] =	vst v1;
	v1 =	vbroadcast v3, $0x1  }
0x76: {  	[tilespmem:$0x1E00] =	vst v2;
	v2 =	vbroadcast v3, $0x2  }
0x77: {  	[tilespmem:$0x1E10] =	vst v1;
	v1 =	vbroadcast v3, $0x3  }
0x78: {  	[tilespmem:$0x1E20] =	vst v2;
	v2 =	vbroadcast v3, $0x4  }
0x79: {  	[tilespmem:$0x1E30] =	vst v1;
	v1 =	vbroadcast v3, $0x5  }
0x7a: {  	[tilespmem:$0x1E40] =	vst v2;
	v2 =	vbroadcast v3, $0x6  }
0x7b: {  	[tilespmem:$0x1E50] =	vst v1;
	v1 =	vbroadcast v3, $0x7  }
0x7c: {  	[tilespmem:$0x1E60] =	vst v2;
	v2 =	vbroadcast v3, $0x8  }
0x7d: {  	[tilespmem:$0x1E70] =	vst v1;
	v1 =	vbroadcast v3, $0x9  }
0x7e: {  	[tilespmem:$0x1E80] =	vst v2;
	v2 =	vbroadcast v3, $0xA  }
0x7f: {  	v63 =	vld [tilespmem:$0x1B30];
	[tilespmem:$0x1E90] =	vst v1;
	v1 =	vbroadcast v3, $0xB  }
0x80: {  	[tilespmem:$0x1EA0] =	vst v2;
	v2 =	vbroadcast v3, $0xC  }
0x81: {  	[tilespmem:$0x1EB0] =	vst v1;
	v1 =	vbroadcast v3, $0xD  }
0x82: {  	[tilespmem:$0x1EC0] =	vst v2;
	v2 =	vbroadcast v3, $0xE  }
0x83: {  	[tilespmem:$0x1ED0] =	vst v1;
	v1 =	vbroadcast v3, $0xF  }
0x84: {  	[tilespmem:$0x1EE0] =	vst v2;
	v2 =	vbroadcast v63, $0x0  }
0x85: {  	[tilespmem:$0x1EF0] =	vst v1;
	v1 =	vbroadcast v63, $0x1  }
0x86: {  	[tilespmem:$0x1F00] =	vst v2;
	v2 =	vbroadcast v63, $0x2  }
0x87: {  	[tilespmem:$0x1F10] =	vst v1;
	v1 =	vbroadcast v63, $0x3  }
0x88: {  	[tilespmem:$0x1F20] =	vst v2;
	v2 =	vbroadcast v63, $0x4  }
0x89: {  	[tilespmem:$0x1F30] =	vst v1;
	v1 =	vbroadcast v63, $0x5  }
0x8a: {  	[tilespmem:$0x1F40] =	vst v2;
	v2 =	vbroadcast v63, $0x6  }
0x8b: {  	[tilespmem:$0x1F50] =	vst v1;
	v1 =	vbroadcast v63, $0x7  }
0x8c: {  	[tilespmem:$0x1F60] =	vst v2;
	v2 =	vbroadcast v63, $0x8  }
0x8d: {  	[tilespmem:$0x1F70] =	vst v1;
	v1 =	vbroadcast v63, $0x9  }
0x8e: {  	[tilespmem:$0x1F80] =	vst v2;
	v2 =	vbroadcast v63, $0xA  }
0x8f: {  	[tilespmem:$0x1F90] =	vst v1;
	v1 =	vbroadcast v63, $0xB  }
0x90: {  	[tilespmem:$0x1FA0] =	vst v2;
	v2 =	vbroadcast v63, $0xC  }
0x91: {  	[tilespmem:$0x1FB0] =	vst v1;
	v1 =	vbroadcast v63, $0xD  }
0x92: {  	[tilespmem:$0x1FC0] =	vst v2;
	v2 =	vbroadcast v63, $0xE  }
0x93: {  	[tilespmem:$0x1FD0] =	vst v1;
	v1 =	vbroadcast v63, $0xF  }
0x94: {  	[tilespmem:$0x1FE0] =	vst v2  }
0x95: {  	s0 =	simm.s32 $0x0;
	[tilespmem:$0x1FF0] =	vst v1  }
.LBB2_4:
0x96: {  	s7 =	sshll.u32 s0, $0x1;
	s8 =	rddreg [dreg:$0x7]  }
0x97: {  	s1 =	sadd.s32 s7, s8  }
0x98: {  	s1 =	sadd.s32 $0x1, s1  }
0x99: {  	s2 =	smulhi.u32 $0x51EB851F, s1;
	_ =	sdelay $0x1  }
0x9a: {  	s5 =	sshrl.u32 s2, $0x6  }
0x9b: {  	s2 =	smul.u32 $0xC8, s5;
	_ =	sdelay $0x1  }
0x9c: {  	s3 =	ssub.s32 s1, s2  }
0x9d: {  	s1 =	sshll.u32 s3, $0x9;
	s2 =	sshll.u32 s3, $0x4  }
0x9e: {  	s1 =	sor.u32 s2, s1  }
0x9f: {  	s9 =	simm.s32 $0x80;
	s1 =	sand.u32 $0x1F070, s1  }
0xa0: {  	s10 =	simm.s32 $0x400;
	s6 =	simm.s32 $0xC000;
	s23 =	sadd.s32 s15, s1  }
0xa1: {  	[tilespmem:s6], [sflag:$0x2] =	stream.strided.gather [hbm4b:s23+s9], $0x1000, s10, s9, $0x38;
	[tilespmem:$0x16000] =	vst v63  }
0xa2: {  	s25 =	simm.s32 $0xD000;
	s1 =	sadd.s32 s28, s1  }
0xa3: {  	[tilespmem:s25], [sflag:$0x2] =	stream.strided.gather [hbm4b:s1+s9], $0x1000, s10, s9, $0x38;
	[tilespmem:$0x16000] =	vst v63  }
0xa4: {  	s9 =	simm.s32 $0x1  }
0xa5: {  	_ =	swait.ge [sflag:s9], $0x1000  }
0xa6: {  	[sflag:s9] =	ssyncset.done $0x0  }
0xa7: {  	[sflag:s9] =	ssyncadd.s32 $0xFFFFF000  }
0xa8: {  	_ =	swait.ge [sflag:s9], $0x1000  }
0xa9: {  	p0 =	seq.s32 s0, $0x0;
	[sflag:s9] =	ssyncset.done $0x0  }
0xaa: {  	s1 =	simm.s32 @!p0 $0x3;
	[sflag:s9] =	ssyncadd.s32 $0xFFFFF000  }
0xab: {  	_ =	swait.ge @!p0 [sflag:s1], $0x8000  }
0xac: {  	[sflag:s1] =	ssyncset.done @!p0 $0x0  }
0xad: {  	s10 =	simm.s32 $0x2000;
	[sflag:s1] =	ssyncadd.s32 @!p0 $0xFFFF8000  }
0xae: {  	v1 =	vld [tilespmem:s10+$0x0]  }
0xaf: {  	s1 =	sadd.s32 s8, s7  }
0xb0: {  	s11 =	smulhi.u32 $0x51EB851F, s1;
	_ =	sdelay $0x1  }
0xb1: {  	s16 =	sshrl.u32 s11, $0x6  }
0xb2: {  	s12 =	sshll.u32 s16, $0x3;
	v1 =	vmul.u32 $0x41, v1  }
0xb3: {  	s14 =	simm.s32 $0x3000;
	v20 =	vmov s12  }
0xb4: {  	s4 =	smov.u32 s15;
	s15 =	simm.s32 $0x2020;
	v24 =	vld [tilespmem:s14+$0x0];
	v18 =	vadd.s32 v20, v1  }
0xb5: {  	s13 =	simm.s32 $0x2010;
	v6 =	vld [tilespmem:s15+$0x0];
	s2 =	sshll.u32 s11, $0x1  }
0xb6: {  	s2 =	sand.u32 $0x3FFFFF80, s2;
	v1 =	vld [tilespmem:s13+$0x0]  }
0xb7: {  	v19 =	vld [tilespmem:s2+$0x1C00]  }
0xb8: {  	v17 =	vld [tilespmem:s2+$0x1C10]  }
0xb9: {  	v3 =	vld.idx.msk [tilespmem:v18+s21+$0x0], $0xffff  }
0xba: {  	v15 =	vld [tilespmem:s2+$0x1C20]  }
0xbb: {  	v13 =	vld [tilespmem:s2+$0x1C30];
	v1 =	vmul.u32 $0x41, v1  }
0xbc: {  	v10 =	vld [tilespmem:s2+$0x1C40];
	v5 =	vadd.s32 $0x1, v18;
	v4 =	vmul.f32 v24, v19  }
0xbd: {  	s6 =	smov.u32 s28;
	s28 =	simm.s32 $0x0;
	v7 =	vld [tilespmem:s2+$0x1C50];
	v25 =	vadd.s32 v20, v1  }
0xbe: {  	s17 =	sand.u32 $0x70, s28;
	s18 =	sand.u32 $0x7C00, s28;
	v2 =	vld [tilespmem:s2+$0x1C60];
	v4 =	vadd.f32 v4, v3  }
0xbf: {  	s19 =	simm.s32 $0x3010;
	v1 =	vld [tilespmem:s2+$0x1C70];
	s2 =	sor.u32 s17, s18  }
0xc0: {  	v3 =	vld [tilespmem:s19+$0x0];
	[tilespmem:s2+$0x4000] =	vst v4  }
0xc1: {  	v4 =	vld.idx.msk [tilespmem:v5+s21+$0x0], $0xffff  }
0xc2: {  	v5 =	vld.idx.msk [tilespmem:v25+s21+$0x0], $0xffff;
	_ =	sdelay $0x1  }
0xc3: {  	v6 =	vmul.u32 $0x41, v6;
	v11 =	vadd.s32 $0x2, v18;
	v8 =	vmul.f32 v24, v17  }
0xc4: {  	v14 =	vadd.s32 $0x1, v25;
	v12 =	vmul.f32 v3, v19  }
0xc5: {  	s20 =	simm.s32 $0x10;
	s22 =	simm.s32 $0x3020;
	v9 =	vadd.s32 v20, v6;
	s17 =	simm.s32 $0x80;
	v6 =	vadd.f32 v4, v8  }
0xc6: {  	s23 =	simm.s32 $0x2030;
	s8 =	sand.u32 $0x70, s20;
	s25 =	sand.u32 $0x7C00, s17;
	v4 =	vld [tilespmem:s22+$0x0];
	v5 =	vadd.f32 v12, v5  }
0xc7: {  	s19 =	sor.u32 s8, s25;
	v8 =	vld [tilespmem:s23+$0x0];
	[tilespmem:s2+$0x4080] =	vst v6  }
0xc8: {  	[tilespmem:s19+$0x4000] =	vst v5;
	v5 =	vld.idx.msk [tilespmem:v11+s21+$0x0], $0xffff  }
0xc9: {  	v6 =	vld.idx.msk [tilespmem:v14+s21+$0x0], $0xffff  }
0xca: {  	v12 =	vld.idx.msk [tilespmem:v9+s21+$0x0], $0xffff  }
0xcb: {  	v11 =	vmul.f32 v24, v15;
	v14 =	vadd.s32 $0x3, v18  }
0xcc: {  	v21 =	vadd.s32 $0x2, v25;
	v16 =	vmul.f32 v3, v17;
	v8 =	vmul.u32 $0x41, v8  }
0xcd: {  	s9 =	simm.s32 $0x3030;
	v23 =	vadd.s32 $0x1, v9;
	v22 =	vmul.f32 v4, v19;
	v26 =	vadd.f32 v5, v11  }
0xce: {  	s20 =	simm.s32 $0x100;
	s10 =	simm.s32 $0x20;
	s11 =	simm.s32 $0x2040;
	v5 =	vld [tilespmem:s9+$0x0];
	v11 =	vadd.s32 v20, v8;
	v6 =	vadd.f32 v6, v16  }
0xcf: {  	s12 =	sand.u32 $0x70, s10;
	s13 =	sand.u32 $0x7C00, s20;
	v12 =	vadd.f32 v22, v12;
	v8 =	vld [tilespmem:s11+$0x0];
	[tilespmem:s2+$0x4100] =	vst v26  }
0xd0: {  	s10 =	sor.u32 s12, s13;
	[tilespmem:s19+$0x4080] =	vst v6;
	v6 =	vld.idx.msk [tilespmem:v14+s21+$0x0], $0xffff  }
0xd1: {  	[tilespmem:s10+$0x4000] =	vst v12;
	v12 =	vld.idx.msk [tilespmem:v21+s21+$0x0], $0xffff  }
0xd2: {  	v16 =	vld.idx.msk [tilespmem:v23+s21+$0x0], $0xffff  }
0xd3: {  	v22 =	vadd.s32 $0x4, v18;
	v14 =	vmul.f32 v24, v13;
	v21 =	vld.idx.msk [tilespmem:v11+s21+$0x0], $0xffff  }
0xd4: {  	v28 =	vadd.s32 $0x2, v9;
	v27 =	vadd.s32 $0x3, v25;
	v23 =	vmul.f32 v3, v15  }
0xd5: {  	s14 =	simm.s32 $0x3040;
	v26 =	vmul.f32 v4, v17;
	v8 =	vmul.u32 $0x41, v8;
	v29 =	vadd.f32 v6, v14  }
0xd6: {  	s15 =	simm.s32 $0x2050;
	v31 =	vadd.s32 $0x1, v11;
	v30 =	vmul.f32 v5, v19;
	v6 =	vld [tilespmem:s14+$0x0];
	v12 =	vadd.f32 v12, v23  }
0xd7: {  	s18 =	simm.s32 $0x30;
	s11 =	simm.s32 $0x180;
	v23 =	vld [tilespmem:s15+$0x0];
	v14 =	vadd.s32 v20, v8;
	v8 =	vadd.f32 v16, v26;
	[tilespmem:s2+$0x4180] =	vst v29  }
0xd8: {  	s22 =	sand.u32 $0x70, s18;
	s23 =	sand.u32 $0x7C00, s11;
	v16 =	vadd.f32 v30, v21;
	[tilespmem:s19+$0x4100] =	vst v12;
	v12 =	vld.idx.msk [tilespmem:v22+s21+$0x0], $0xffff  }
0xd9: {  	s13 =	sor.u32 s22, s23;
	[tilespmem:s10+$0x4080] =	vst v8;
	v21 =	vld.idx.msk [tilespmem:v27+s21+$0x0], $0xffff  }
0xda: {  	[tilespmem:s13+$0x4000] =	vst v16;
	v16 =	vld.idx.msk [tilespmem:v28+s21+$0x0], $0xffff  }
0xdb: {  	v22 =	vld.idx.msk [tilespmem:v31+s21+$0x0], $0xffff  }
0xdc: {  	v32 =	vadd.s32 $0x3, v9;
	v27 =	vld.idx.msk [tilespmem:v14+s21+$0x0], $0xffff  }
0xdd: {  	v33 =	vadd.s32 $0x2, v11;
	v26 =	vadd.s32 $0x5, v18;
	v8 =	vmul.f32 v24, v10  }
0xde: {  	s29 =	simm.s32 $0x200;
	s12 =	simm.s32 $0x40;
	s25 =	simm.s32 $0x3050;
	v29 =	vmul.f32 v4, v15;
	v30 =	vadd.s32 $0x4, v25;
	v28 =	vmul.f32 v3, v13  }
0xdf: {  	s8 =	sand.u32 $0x70, s12;
	s9 =	simm.s32 $0x2060;
	s14 =	sand.u32 $0x7C00, s29;
	v31 =	vmul.f32 v5, v17;
	v34 =	vmul.f32 v6, v19;
	v12 =	vadd.f32 v12, v8;
	v8 =	vld [tilespmem:s25+$0x0]  }
0xe0: {  	s24 =	smov.u32 s31;
	s31 =	sor.u32 s8, s14;
	s14 =	simm.s32 $0x2080;
	v23 =	vmul.u32 $0x41, v23;
	v21 =	vadd.f32 v21, v28;
	v28 =	vld [tilespmem:s9+$0x0];
	v29 =	vadd.f32 v16, v29  }
0xe1: {  	v35 =	vadd.s32 $0x1, v14;
	[tilespmem:s2+$0x4200] =	vst v12;
	v12 =	vadd.f32 v22, v31;
	v22 =	vadd.f32 v34, v27;
	v34 =	vld [tilespmem:s14+$0x0]  }
0xe2: {  	v16 =	vadd.s32 v20, v23;
	[tilespmem:s19+$0x4180] =	vst v21;
	v21 =	vld.idx.msk [tilespmem:v26+s21+$0x0], $0xffff  }
0xe3: {  	[tilespmem:s10+$0x4100] =	vst v29;
	v23 =	vld.idx.msk [tilespmem:v30+s21+$0x0], $0xffff  }
0xe4: {  	[tilespmem:s13+$0x4080] =	vst v12;
	v26 =	vld.idx.msk [tilespmem:v32+s21+$0x0], $0xffff  }
0xe5: {  	v27 =	vadd.s32 $0x6, v18;
	[tilespmem:s31+$0x4000] =	vst v22;
	v12 =	vmul.f32 v24, v7;
	v22 =	vld.idx.msk [tilespmem:v33+s21+$0x0], $0xffff  }
0xe6: {  	v53 =	vadd.s32 $0x4, v9;
	v50 =	vadd.s32 $0x5, v25;
	v30 =	vmul.f32 v3, v10;
	v29 =	vld.idx.msk [tilespmem:v35+s21+$0x0], $0xffff  }
0xe7: {  	v37 =	vadd.s32 $0x3, v11;
	s15 =	simm.s32 $0x3060;
	v31 =	vmul.f32 v4, v13;
	v51 =	vld.idx.msk [tilespmem:v16+s21+$0x0], $0xffff;
	v21 =	vadd.f32 v21, v12  }
0xe8: {  	s18 =	simm.s32 $0x2070;
	v52 =	vmul.f32 v5, v15;
	v38 =	vadd.s32 $0x2, v14;
	v12 =	vld [tilespmem:s15+$0x0];
	v23 =	vadd.f32 v23, v30  }
0xe9: {  	v36 =	vmul.f32 v6, v17;
	v28 =	vmul.u32 $0x41, v28;
	v30 =	vld [tilespmem:s18+$0x0];
	v26 =	vadd.f32 v26, v31;
	[tilespmem:s2+$0x4280] =	vst v21  }
0xea: {  	v39 =	vadd.s32 $0x1, v16;
	v31 =	vmul.f32 v8, v19;
	v22 =	vadd.f32 v22, v52;
	[tilespmem:s19+$0x4200] =	vst v23;
	v23 =	vld.idx.msk [tilespmem:v27+s21+$0x0], $0xffff  }
0xeb: {  	s30 =	simm.s32 $0x280;
	s22 =	simm.s32 $0x50;
	v21 =	vadd.s32 v20, v28;
	v27 =	vadd.f32 v29, v36;
	[tilespmem:s10+$0x4180] =	vst v26;
	v26 =	vld.idx.msk [tilespmem:v50+s21+$0x0], $0xffff  }
0xec: {  	s23 =	sand.u32 $0x7C00, s30;
	s8 =	sand.u32 $0x70, s22;
	v28 =	vadd.f32 v31, v51;
	[tilespmem:s13+$0x4100] =	vst v22;
	v22 =	vld.idx.msk [tilespmem:v53+s21+$0x0], $0xffff  }
0xed: {  	s22 =	sor.u32 s8, s23;
	v29 =	vmul.f32 v24, v2;
	v31 =	vadd.s32 $0x7, v18;
	[tilespmem:s31+$0x4080] =	vst v27;
	v27 =	vld.idx.msk [tilespmem:v37+s21+$0x0], $0xffff  }
0xee: {  	v59 =	vadd.s32 $0x5, v9;
	v56 =	vadd.s32 $0x6, v25;
	v54 =	vmul.f32 v3, v7;
	[tilespmem:s22+$0x4000] =	vst v28;
	v28 =	vld.idx.msk [tilespmem:v38+s21+$0x0], $0xffff  }
0xef: {  	v57 =	vmul.f32 v4, v10;
	v60 =	vadd.s32 $0x4, v11;
	v55 =	vld.idx.msk [tilespmem:v39+s21+$0x0], $0xffff;
	v23 =	vadd.f32 v23, v29  }
0xf0: {  	s12 =	simm.s32 $0x3070;
	v40 =	vadd.s32 $0x3, v14;
	v58 =	vld.idx.msk [tilespmem:v21+s21+$0x0], $0xffff;
	v29 =	vmul.f32 v5, v13;
	v26 =	vadd.f32 v26, v54  }
0xf1: {  	v61 =	vmul.f32 v6, v15;
	v41 =	vadd.s32 $0x2, v16;
	v18 =	vld [tilespmem:s12+$0x0];
	v22 =	vadd.f32 v22, v57;
	[tilespmem:s2+$0x4300] =	vst v23  }
0xf2: {  	s25 =	smul.u32 $0xC8, s16;
	v62 =	vmul.f32 v8, v17;
	v35 =	vadd.s32 $0x1, v21;
	v29 =	vadd.f32 v27, v29;
	[tilespmem:s19+$0x4280] =	vst v26;
	v27 =	vld.idx.msk [tilespmem:v31+s21+$0x0], $0xffff  }
0xf3: {  	s23 =	simm.s32 $0x300;
	v31 =	vmul.f32 v12, v19;
	v28 =	vadd.f32 v28, v61;
	[tilespmem:s10+$0x4200] =	vst v22;
	v23 =	vld.idx.msk [tilespmem:v56+s21+$0x0], $0xffff;
	v22 =	vmul.u32 $0x41, v30  }
0xf4: {  	s8 =	simm.s32 $0x0;
	s9 =	simm.s32 $0x60;
	s18 =	ssub.s32 s1, s25;
	v30 =	vadd.f32 v55, v62;
	[tilespmem:s13+$0x4180] =	vst v29;
	v26 =	vld.idx.msk [tilespmem:v59+s21+$0x0], $0xffff  }
0xf5: {  	s15 =	simm.s32 $0x80;
	s1 =	sand.u32 $0x70, s9;
	s25 =	sand.u32 $0x7C00, s23;
	v63 =	vadd.f32 v31, v58;
	[tilespmem:s31+$0x4100] =	vst v28;
	v29 =	vld.idx.msk [tilespmem:v60+s21+$0x0], $0xffff;
	v22 =	vadd.s32 v20, v22  }
0xf6: {  	s9 =	sand.u32 $0x7, s28;
	s28 =	simm.s32 $0x0;
	s25 =	sor.u32 s1, s25;
	[tilespmem:s22+$0x4080] =	vst v30;
	v31 =	vmul.f32 v24, v1;
	v32 =	vld.idx.msk [tilespmem:v40+s21+$0x0], $0xffff  }
0xf7: {  	s1 =	simm.s32 $0x90;
	s9 =	sshll.u32 s9, $0x4;
	s2 =	simm.s32 $0x70;
	v30 =	vmul.f32 v4, v7;
	v28 =	vmul.f32 v3, v2;
	v24 =	vadd.s32 $0x7, v25;
	v33 =	vld.idx.msk [tilespmem:v41+s21+$0x0], $0xffff;
	[tilespmem:s25+$0x4000] =	vst v63  }
.LBB2_5:
0xf8: {  	p1 =	sne.s32 s1, $0xFF0;
	v25 =	vld.idx.msk [tilespmem:v35+s21+$0x0], $0xffff;
	v35 =	vmul.f32 v5, v10;
	v36 =	vadd.s32 $0x6, v9;
	s9 =	sadd.s32 s9, s8;
	v27 =	vadd.f32 v27, v31;
	v37 =	vmovc v6  }
0xf9: {  	v6 =	vmovc v8;
	v8 =	vmovc v12;
	v12 =	vmov v18;
	v31 =	vmov v34;
	v38 =	vmov v9;
	s8 =	smov.u32 s17;
	s17 =	smov.u32 s20;
	s20 =	smov.u32 s11  }
0xfa: {  	s12 =	sadd.s32 $0x10, s12;
	v41 =	vadd.s32 $0x5, v11;
	v9 =	vmovc v11;
	s11 =	smov.u32 s29;
	v39 =	vld.idx.msk [tilespmem:v22+s21+$0x0], $0xffff;
	v40 =	vmul.f32 v37, v13;
	v23 =	vadd.f32 v23, v28;
	s9 =	sor.u32 $0x380, s9  }
0xfb: {  	s14 =	sadd.s32 $0x10, s14;
	v42 =	vadd.s32 $0x4, v14;
	v11 =	vmovc v14;
	s29 =	smov.u32 s30;
	s30 =	smov.u32 s23;
	v28 =	vmul.f32 v6, v15;
	v26 =	vadd.f32 v26, v30;
	v18 =	vld [tilespmem:s12+$0x0];
	[tilespmem:s9+$0x4000] =	vst v27  }
0xfc: {  	v43 =	vadd.s32 $0x3, v16;
	v14 =	vmovc v16;
	v30 =	vmul.f32 v8, v17;
	v29 =	vadd.f32 v29, v35;
	v34 =	vld [tilespmem:s14+$0x0];
	[tilespmem:s19+$0x4300] =	vst v23;
	s19 =	smov.u32 s10;
	s10 =	smov.u32 s13;
	s13 =	smov.u32 s31  }
0xfd: {  	v44 =	vadd.s32 $0x2, v21;
	v16 =	vmovc v21;
	v31 =	vmul.u32 $0x41, v31;
	v32 =	vadd.f32 v32, v40;
	s31 =	smov.u32 s22;
	s22 =	smov.u32 s25;
	[tilespmem:s19+$0x4280] =	vst v26;
	v27 =	vld.idx.msk [tilespmem:v24+s21+$0x0], $0xffff  }
.Ltmp1:
0xfe: {  	v35 =	vadd.s32 $0x1, v22;
	v24 =	vmul.f32 v12, v19;
	v28 =	vadd.f32 v33, v28;
	[tilespmem:s10+$0x4200] =	vst v29;
	v23 =	vld.idx.msk [tilespmem:v36+s21+$0x0], $0xffff;
	(pc) =	sbr.rel @p1 .LBB2_5-.Ltmp1, $4  }
0xff: {  	s23 =	sadd.s32 $0x80, s23;
	v21 =	vmov v22;
	v22 =	vadd.s32 v20, v31;
	v25 =	vadd.f32 v25, v30;
	[tilespmem:s13+$0x4180] =	vst v32;
	v26 =	vld.idx.msk [tilespmem:v41+s21+$0x0], $0xffff  }
0x100: {  	s2 =	sand.u32 $0x70, s2;
	s28 =	sadd.s32 $0x1, s28;
	s9 =	sand.u32 $0x7C00, s23;
	v24 =	vadd.f32 v24, v39;
	[tilespmem:s31+$0x4100] =	vst v28;
	v29 =	vld.idx.msk [tilespmem:v42+s21+$0x0], $0xffff  }
0x101: {  	s25 =	sor.u32 s2, s9;
	s9 =	sand.u32 $0x7, s28;
	v31 =	vmul.f32 v3, v1;
	v3 =	vmovc v4;
	v4 =	vmov v5;
	v5 =	vmov v37;
	s2 =	smov.u32 s15;
	[tilespmem:s22+$0x4080] =	vst v25;
	v32 =	vld.idx.msk [tilespmem:v43+s21+$0x0], $0xffff  }
0x102: {  	s15 =	smov.u32 s1;
	s1 =	sadd.s32 $0x10, s1;
	s9 =	sshll.u32 s9, $0x4;
	v30 =	vmul.f32 v4, v7;
	v28 =	vmul.f32 v3, v2;
	[tilespmem:s25+$0x4000] =	vst v24;
	v33 =	vld.idx.msk [tilespmem:v44+s21+$0x0], $0xffff;
	v24 =	vadd.s32 $0x7, v38  }
0x103: {  	v25 =	vmul.u32 $0x41, v34;
	_ =	sdelay $0x1  }
0x104: {  	v25 =	vadd.s32 v20, v25;
	_ =	sdelay $0x1  }
0x105: {  	s1 =	sadd.s32 $0x10, s12;
	v57 =	vld.idx.msk [tilespmem:v22+s21+$0x0], $0xffff  }
0x106: {  	v20 =	vld [tilespmem:s1+$0x0];
	_ =	sdelay $0x1  }
0x107: {  	v36 =	vld.idx.msk [tilespmem:v25+s21+$0x0], $0xffff  }
0x108: {  	v37 =	vmul.f32 v18, v19;
	v38 =	vadd.s32 $0x1, v22  }
0x109: {  	s1 =	sadd.s32 $0x80, s23  }
0x10a: {  	s12 =	sand.u32 $0x70, s2;
	v39 =	vadd.s32 $0x1, v25;
	s14 =	sand.u32 $0x7C00, s1;
	v34 =	vadd.f32 v37, v57;
	v19 =	vmul.f32 v20, v19  }
0x10b: {  	s2 =	sadd.s32 $0x80, s1;
	s14 =	sor.u32 s12, s14  }
0x10c: {  	v35 =	vld.idx.msk [tilespmem:v35+s21+$0x0], $0xffff;
	s12 =	sand.u32 $0x70, s15;
	s15 =	sand.u32 $0x7C00, s2;
	[tilespmem:s14+$0x4000] =	vst v34;
	v19 =	vadd.f32 v19, v36  }
0x10d: {  	s12 =	sor.u32 s12, s15;
	v34 =	vld.idx.msk [tilespmem:v38+s21+$0x0], $0xffff  }
0x10e: {  	[tilespmem:s12+$0x4000] =	vst v19  }
0x10f: {  	v58 =	vmul.f32 v12, v17;
	v59 =	vadd.s32 $0x2, v21;
	v19 =	vld.idx.msk [tilespmem:v39+s21+$0x0], $0xffff  }
0x110: {  	v60 =	vmul.f32 v18, v17;
	v61 =	vadd.s32 $0x2, v22  }
0x111: {  	v35 =	vadd.f32 v35, v58  }
0x112: {  	v62 =	vadd.s32 $0x2, v25;
	v17 =	vmul.f32 v20, v17;
	v34 =	vadd.f32 v34, v60  }
0x113: {  	[tilespmem:s25+$0x4080] =	vst v35  }
0x114: {  	[tilespmem:s14+$0x4080] =	vst v34;
	v17 =	vadd.f32 v19, v17;
	v19 =	vld.idx.msk [tilespmem:v59+s21+$0x0], $0xffff  }
0x115: {  	v34 =	vld.idx.msk [tilespmem:v61+s21+$0x0], $0xffff  }
0x116: {  	v63 =	vadd.s32 $0x3, v16;
	[tilespmem:s12+$0x4080] =	vst v17;
	v17 =	vmul.f32 v8, v15  }
0x117: {  	v42 =	vmul.f32 v12, v15;
	v43 =	vadd.s32 $0x3, v21;
	v36 =	vld.idx.msk [tilespmem:v62+s21+$0x0], $0xffff  }
0x118: {  	v44 =	vmul.f32 v18, v15;
	v45 =	vadd.s32 $0x3, v22;
	v17 =	vadd.f32 v33, v17  }
0x119: {  	v19 =	vadd.f32 v19, v42  }
0x11a: {  	v46 =	vadd.s32 $0x3, v25;
	v15 =	vmul.f32 v20, v15;
	[tilespmem:s22+$0x4100] =	vst v17;
	v17 =	vadd.f32 v34, v44  }
0x11b: {  	v47 =	vld.idx.msk [tilespmem:v63+s21+$0x0], $0xffff;
	[tilespmem:s25+$0x4100] =	vst v19  }
0x11c: {  	v15 =	vadd.f32 v36, v15;
	v19 =	vld.idx.msk [tilespmem:v43+s21+$0x0], $0xffff;
	[tilespmem:s14+$0x4100] =	vst v17  }
0x11d: {  	v48 =	vadd.s32 $0x4, v14;
	v17 =	vmul.f32 v6, v13;
	v49 =	vld.idx.msk [tilespmem:v45+s21+$0x0], $0xffff  }
0x11e: {  	v50 =	vadd.s32 $0x4, v16;
	[tilespmem:s12+$0x4100] =	vst v15;
	v15 =	vmul.f32 v8, v13  }
0x11f: {  	v51 =	vmul.f32 v12, v13;
	v52 =	vadd.s32 $0x4, v21;
	v17 =	vadd.f32 v32, v17;
	v37 =	vld.idx.msk [tilespmem:v46+s21+$0x0], $0xffff  }
0x120: {  	v53 =	vmul.f32 v18, v13;
	v54 =	vadd.s32 $0x4, v22;
	v15 =	vadd.f32 v47, v15  }
0x121: {  	[tilespmem:s31+$0x4180] =	vst v17;
	v17 =	vadd.f32 v19, v51  }
0x122: {  	v13 =	vmul.f32 v20, v13;
	v19 =	vadd.s32 $0x4, v25;
	v55 =	vld.idx.msk [tilespmem:v48+s21+$0x0], $0xffff;
	[tilespmem:s22+$0x4180] =	vst v15;
	v15 =	vadd.f32 v49, v53  }
0x123: {  	v56 =	vld.idx.msk [tilespmem:v50+s21+$0x0], $0xffff;
	[tilespmem:s25+$0x4180] =	vst v17  }
0x124: {  	v57 =	vadd.s32 $0x5, v11;
	v17 =	vmul.f32 v5, v10;
	v13 =	vadd.f32 v37, v13;
	v58 =	vld.idx.msk [tilespmem:v52+s21+$0x0], $0xffff;
	[tilespmem:s14+$0x4180] =	vst v15  }
0x125: {  	v59 =	vadd.s32 $0x5, v14;
	v15 =	vmul.f32 v6, v10;
	v60 =	vld.idx.msk [tilespmem:v54+s21+$0x0], $0xffff  }
0x126: {  	[tilespmem:s12+$0x4180] =	vst v13;
	v13 =	vadd.f32 v29, v17;
	v17 =	vmul.f32 v8, v10;
	v29 =	vadd.s32 $0x5, v16  }
0x127: {  	v61 =	vmul.f32 v12, v10;
	v62 =	vadd.s32 $0x5, v21;
	v15 =	vadd.f32 v55, v15;
	v19 =	vld.idx.msk [tilespmem:v19+s21+$0x0], $0xffff  }
0x128: {  	v63 =	vadd.s32 $0x5, v22;
	[tilespmem:s13+$0x4200] =	vst v13;
	v13 =	vadd.f32 v56, v17;
	v17 =	vmul.f32 v18, v10  }
0x129: {  	[tilespmem:s31+$0x4200] =	vst v15;
	v34 =	vld.idx.msk [tilespmem:v57+s21+$0x0], $0xffff;
	v15 =	vadd.f32 v58, v61  }
0x12a: {  	v39 =	vadd.s32 $0x5, v25;
	v10 =	vmul.f32 v20, v10;
	v40 =	vld.idx.msk [tilespmem:v59+s21+$0x0], $0xffff;
	[tilespmem:s22+$0x4200] =	vst v13;
	v13 =	vadd.f32 v60, v17  }
0x12b: {  	s8 =	sadd.s32 s9, s8;
	v17 =	vadd.s32 $0x6, v9;
	v29 =	vld.idx.msk [tilespmem:v29+s21+$0x0], $0xffff;
	[tilespmem:s25+$0x4200] =	vst v15;
	v15 =	vadd.f32 v27, v31  }
0x12c: {  	s8 =	sor.u32 $0x380, s8;
	v27 =	vadd.s32 $0x6, v11;
	v10 =	vadd.f32 v19, v10;
	v19 =	vmul.f32 v5, v7;
	v31 =	vld.idx.msk [tilespmem:v62+s21+$0x0], $0xffff;
	[tilespmem:s14+$0x4200] =	vst v13  }
0x12d: {  	v13 =	vadd.f32 v26, v30;
	v26 =	vmul.f32 v6, v7;
	v30 =	vadd.s32 $0x6, v14;
	v33 =	vld.idx.msk [tilespmem:v63+s21+$0x0], $0xffff;
	[tilespmem:s8+$0x4000] =	vst v15  }
0x12e: {  	v15 =	vmul.f32 v8, v7;
	[tilespmem:s12+$0x4200] =	vst v10;
	v10 =	vadd.f32 v34, v19;
	v19 =	vadd.s32 $0x6, v16  }
0x12f: {  	v41 =	vadd.s32 $0x6, v21;
	[tilespmem:s10+$0x4280] =	vst v13;
	v13 =	vadd.f32 v40, v26;
	v26 =	vmul.f32 v12, v7;
	v32 =	vld.idx.msk [tilespmem:v39+s21+$0x0], $0xffff  }
0x130: {  	v17 =	vld.idx.msk [tilespmem:v17+s21+$0x0], $0xffff;
	[tilespmem:s13+$0x4280] =	vst v10;
	v10 =	vadd.f32 v29, v15;
	v15 =	vmul.f32 v18, v7;
	v29 =	vadd.s32 $0x6, v22  }
0x131: {  	[tilespmem:s31+$0x4280] =	vst v13;
	v27 =	vld.idx.msk [tilespmem:v27+s21+$0x0], $0xffff;
	v13 =	vadd.f32 v31, v26  }
0x132: {  	v7 =	vmul.f32 v20, v7;
	v26 =	vadd.s32 $0x6, v25;
	v30 =	vld.idx.msk [tilespmem:v30+s21+$0x0], $0xffff;
	[tilespmem:s22+$0x4280] =	vst v10;
	v10 =	vadd.f32 v33, v15  }
0x133: {  	v9 =	vadd.s32 $0x7, v9;
	v15 =	vmul.f32 v4, v2;
	v19 =	vld.idx.msk [tilespmem:v19+s21+$0x0], $0xffff;
	[tilespmem:s25+$0x4280] =	vst v13;
	v13 =	vadd.f32 v23, v28  }
0x134: {  	v11 =	vadd.s32 $0x7, v11;
	v23 =	vmul.f32 v5, v2;
	v7 =	vadd.f32 v32, v7;
	v28 =	vld.idx.msk [tilespmem:v41+s21+$0x0], $0xffff;
	[tilespmem:s14+$0x4280] =	vst v10  }
0x135: {  	s9 =	sadd.s32 $0x1, s28;
	v14 =	vadd.s32 $0x7, v14;
	v10 =	vadd.f32 v17, v15;
	v15 =	vmul.f32 v6, v2;
	v17 =	vld.idx.msk [tilespmem:v29+s21+$0x0], $0xffff;
	[tilespmem:s19+$0x4300] =	vst v13  }
0x136: {  	s15 =	sand.u32 $0x7, s9;
	v13 =	vmul.f32 v8, v2;
	[tilespmem:s12+$0x4280] =	vst v7;
	v7 =	vadd.f32 v27, v23;
	v24 =	vld.idx.msk [tilespmem:v24+s21+$0x0], $0xffff  }
0x137: {  	p1 =	seq.s32 s0, $0x18;
	s8 =	sadd.s32 $0x1, s9;
	s9 =	sshll.u32 s15, $0x4;
	[tilespmem:s10+$0x4300] =	vst v10;
	v10 =	vadd.f32 v30, v15;
	v15 =	vmul.f32 v12, v2;
	v23 =	vld.idx.msk [tilespmem:v26+s21+$0x0], $0xffff  }
0x138: {  	v16 =	vadd.s32 $0x7, v16;
	s9 =	sadd.s32 s9, s17;
	s19 =	sand.u32 $0x7, s8;
	s8 =	sadd.s32 $0x1, s8;
	v9 =	vld.idx.msk [tilespmem:v9+s21+$0x0], $0xffff;
	[tilespmem:s13+$0x4300] =	vst v7;
	v7 =	vadd.f32 v19, v13;
	v13 =	vmul.f32 v18, v2  }
0x139: {  	v3 =	vmul.f32 v3, v1;
	v21 =	vadd.s32 $0x7, v21;
	s15 =	sshll.u32 s19, $0x4;
	s17 =	sand.u32 $0x7, s8;
	s8 =	sadd.s32 $0x1, s8;
	[tilespmem:s31+$0x4300] =	vst v10;
	v11 =	vld.idx.msk [tilespmem:v11+s21+$0x0], $0xffff;
	v10 =	vadd.f32 v28, v15  }
0x13a: {  	s9 =	sor.u32 $0x380, s9;
	s10 =	sadd.s32 s15, s20;
	s19 =	sand.u32 $0x7, s8;
	v19 =	vadd.s32 $0x7, v22;
	v2 =	vmul.f32 v20, v2;
	v14 =	vld.idx.msk [tilespmem:v14+s21+$0x0], $0xffff;
	[tilespmem:s22+$0x4300] =	vst v7;
	v7 =	vadd.f32 v17, v13  }
0x13b: {  	v4 =	vmul.f32 v4, v1;
	s8 =	sadd.s32 $0x1, s8;
	s10 =	sor.u32 $0x380, s10;
	s13 =	sshll.u32 s17, $0x4;
	v15 =	vadd.s32 $0x7, v25;
	[tilespmem:s25+$0x4300] =	vst v10;
	v3 =	vadd.f32 v24, v3  }
0x13c: {  	v5 =	vmul.f32 v5, v1;
	s20 =	sadd.s32 $0x1, s8;
	s8 =	sand.u32 $0x7, s8;
	s31 =	smov.u32 s24;
	v2 =	vadd.f32 v23, v2;
	[tilespmem:s14+$0x4300] =	vst v7  }
0x13d: {  	v6 =	vmul.f32 v6, v1;
	s11 =	sadd.s32 s13, s11;
	s13 =	sshll.u32 s19, $0x4;
	s8 =	sshll.u32 s8, $0x4;
	v13 =	vld.idx.msk [tilespmem:v16+s21+$0x0], $0xffff;
	v4 =	vadd.f32 v9, v4;
	[tilespmem:s9+$0x4000] =	vst v3  }
0x13e: {  	s17 =	sadd.s32 $0x1, s20;
	s11 =	sor.u32 $0x380, s11;
	s13 =	sadd.s32 s13, s29;
	v10 =	vld.idx.msk [tilespmem:v21+s21+$0x0], $0xffff;
	[tilespmem:s12+$0x4300] =	vst v2;
	v2 =	vadd.f32 v11, v5  }
0x13f: {  	s22 =	sand.u32 $0x7, s20;
	s8 =	sadd.s32 s8, s30;
	s19 =	sadd.s32 $0x1, s17;
	v7 =	vld.idx.msk [tilespmem:v19+s21+$0x0], $0xffff;
	[tilespmem:s10+$0x4000] =	vst v4;
	v4 =	vadd.f32 v14, v6  }
0x140: {  	s20 =	sand.u32 $0x7, s17;
	s13 =	sor.u32 $0x380, s13;
	s25 =	sshll.u32 s22, $0x4;
	v3 =	vmul.f32 v8, v1;
	v5 =	vld.idx.msk [tilespmem:v15+s21+$0x0], $0xffff;
	[tilespmem:s11+$0x4000] =	vst v2  }
0x141: {  	s8 =	sor.u32 $0x380, s8;
	s22 =	sshll.u32 s16, $0xC;
	s14 =	sadd.s32 s25, s23;
	v6 =	vmul.f32 v12, v1;
	[tilespmem:s13+$0x4000] =	vst v4  }
0x142: {  	s23 =	sshll.u32 s18, $0xF;
	s9 =	sor.u32 $0x380, s14;
	v2 =	vadd.f32 v13, v3;
	v3 =	vmul.f32 v18, v1;
	s12 =	rddreg [dreg:$0xa]  }
0x143: {  	s10 =	sand.u32 $0x7, s19;
	s11 =	sshll.u32 s20, $0x4;
	v1 =	vmul.f32 v20, v1;
	v4 =	vadd.f32 v10, v6;
	s7 =	sadd.s32 @!p1 s7, s12  }
0x144: {  	s10 =	sshll.u32 s10, $0x4;
	s1 =	sadd.s32 s11, s1;
	[tilespmem:s8+$0x4000] =	vst v2;
	v2 =	vadd.f32 v7, v3;
	s8 =	smulhi.u32 @!p1 $0x51EB851F, s7  }
0x145: {  	s25 =	simm.s32 $0x4000;
	s2 =	sadd.s32 s10, s2;
	s1 =	sor.u32 $0x380, s1;
	[tilespmem:s9+$0x4000] =	vst v4;
	v1 =	vadd.f32 v5, v1  }
0x146: {  	s2 =	sor.u32 $0x380, s2;
	s9 =	sadd.s32 s24, s22;
	[tilespmem:s1+$0x4000] =	vst v2;
	s8 =	sshrl.u32 @!p1 s8, $0x6  }
0x147: {  	s24 =	simm.s32 $0x0;
	s1 =	sadd.s32 s23, s9;
	[tilespmem:s2+$0x4000] =	vst v1;
	s2 =	smul.u32 @!p1 $0xC8, s8  }
0x148: {  	[hbm4b:s1+s24] =	stream.linear.scatter [tilespmem:s25], [sflag:$0x3], $0x8000, $0x38;
	[tilespmem:$0x16000] =	vst v63  }
0x149: {  	s1 =	ssub.s32 @!p1 s7, s2  }
0x14a: {  	s2 =	sshll.u32 @!p1 s1, $0x9;
	s1 =	sshll.u32 @!p1 s1, $0x4  }
0x14b: {  	s1 =	sor.u32 @!p1 s1, s2  }
0x14c: {  	s9 =	simm.s32 @!p1 $0x2000;
	s1 =	sand.u32 @!p1 $0x1F060, s1  }
0x14d: {  	s8 =	simm.s32 @!p1 $0x400;
	s7 =	simm.s32 @!p1 $0x80;
	s2 =	sadd.s32 @!p1 s4, s1  }
0x14e: {  	[tilespmem:s9], [sflag:$0x1] =	stream.strided.gather @!p1 [hbm4b:s2+s7], $0x1000, s8, s7, $0x38;
	[tilespmem:$0x16000] =	vst v63  }
0x14f: {  	s1 =	sadd.s32 @!p1 s6, s1;
	s2 =	simm.s32 @!p1 $0x3000  }
0x150: {  	[tilespmem:s2], [sflag:$0x1] =	stream.strided.gather @!p1 [hbm4b:s1+s7], $0x1000, s8, s7, $0x38;
	[tilespmem:$0x16000] =	vst v63  }
0x151: {  	_ =	swait.ge [sflag:s26], $0x1000  }
0x152: {  	[sflag:s26] =	ssyncset.done $0x0  }
0x153: {  	[sflag:s26] =	ssyncadd.s32 $0xFFFFF000  }
0x154: {  	_ =	swait.ge [sflag:s26], $0x1000  }
0x155: {  	[sflag:s26] =	ssyncset.done $0x0  }
0x156: {  	s1 =	simm.s32 @!p0 $0x4;
	[sflag:s26] =	ssyncadd.s32 $0xFFFFF000  }
0x157: {  	_ =	swait.ge @!p0 [sflag:s1], $0x8000  }
0x158: {  	[sflag:s1] =	ssyncset.done @!p0 $0x0  }
0x159: {  	s9 =	simm.s32 $0xC000;
	[sflag:s1] =	ssyncadd.s32 @!p0 $0xFFFF8000  }
0x15a: {  	v1 =	vld [tilespmem:s9+$0x0];
	_ =	sdelay $0x4  }
0x15b: {  	s10 =	sshll.u32 s5, $0x3;
	s11 =	sshll.u32 s5, $0x7;
	v1 =	vmul.u32 $0x41, v1  }
0x15c: {  	v20 =	vmov s10;
	s2 =	sand.u32 $0x3FFFFF80, s11  }
0x15d: {  	v19 =	vld [tilespmem:s2+$0x1C00];
	v18 =	vadd.s32 v20, v1  }
0x15e: {  	s12 =	simm.s32 $0xC010;
	v16 =	vld [tilespmem:s2+$0x1C10]  }
0x15f: {  	s13 =	simm.s32 $0xD000;
	v1 =	vld [tilespmem:s12+$0x0]  }
0x160: {  	v24 =	vld [tilespmem:s13+$0x0]  }
0x161: {  	v15 =	vld [tilespmem:s2+$0x1C20]  }
0x162: {  	v3 =	vld.idx.msk [tilespmem:v18+s21+$0x0], $0xffff  }
0x163: {  	v13 =	vld [tilespmem:s2+$0x1C30]  }
0x164: {  	v10 =	vld [tilespmem:s2+$0x1C40];
	v1 =	vmul.u32 $0x41, v1  }
0x165: {  	v6 =	vld [tilespmem:s2+$0x1C50];
	v4 =	vmul.f32 v24, v19;
	v5 =	vadd.s32 $0x1, v18  }
0x166: {  	s14 =	simm.s32 $0xC020;
	s11 =	simm.s32 $0x0;
	v2 =	vld [tilespmem:s2+$0x1C60];
	v25 =	vadd.s32 v20, v1  }
0x167: {  	s16 =	sand.u32 $0x70, s11;
	s17 =	sand.u32 $0x7C00, s11;
	v7 =	vld [tilespmem:s14+$0x0];
	v4 =	vadd.f32 v4, v3  }
0x168: {  	s18 =	simm.s32 $0xD010;
	s1 =	sor.u32 s16, s17;
	v1 =	vld [tilespmem:s2+$0x1C70]  }
0x169: {  	v3 =	vld [tilespmem:s18+$0x0];
	[tilespmem:s1+$0xE000] =	vst v4  }
0x16a: {  	v4 =	vld.idx.msk [tilespmem:v5+s21+$0x0], $0xffff  }
0x16b: {  	v5 =	vld.idx.msk [tilespmem:v25+s21+$0x0], $0xffff;
	_ =	sdelay $0x1  }
0x16c: {  	v8 =	vmul.f32 v24, v16;
	v7 =	vmul.u32 $0x41, v7;
	v11 =	vadd.s32 $0x2, v18  }
0x16d: {  	v14 =	vadd.s32 $0x1, v25;
	v12 =	vmul.f32 v3, v19  }
0x16e: {  	s19 =	simm.s32 $0x10;
	s20 =	simm.s32 $0xD020;
	s7 =	simm.s32 $0x80;
	v9 =	vadd.s32 v20, v7;
	v7 =	vadd.f32 v4, v8  }
0x16f: {  	s22 =	simm.s32 $0xC030;
	s23 =	sand.u32 $0x7C00, s7;
	s2 =	sand.u32 $0x70, s19;
	v4 =	vld [tilespmem:s20+$0x0];
	v5 =	vadd.f32 v12, v5  }
0x170: {  	s17 =	sor.u32 s2, s23;
	v8 =	vld [tilespmem:s22+$0x0];
	[tilespmem:s1+$0xE080] =	vst v7  }
0x171: {  	[tilespmem:s17+$0xE000] =	vst v5;
	v5 =	vld.idx.msk [tilespmem:v11+s21+$0x0], $0xffff  }
0x172: {  	v7 =	vld.idx.msk [tilespmem:v14+s21+$0x0], $0xffff  }
0x173: {  	v12 =	vld.idx.msk [tilespmem:v9+s21+$0x0], $0xffff  }
0x174: {  	v11 =	vmul.f32 v24, v15;
	v14 =	vadd.s32 $0x3, v18  }
0x175: {  	v21 =	vadd.s32 $0x2, v25;
	v17 =	vmul.f32 v3, v16;
	v8 =	vmul.u32 $0x41, v8  }
0x176: {  	s28 =	smov.u32 s6;
	s15 =	smov.u32 s4;
	s25 =	simm.s32 $0xD030;
	v23 =	vadd.s32 $0x1, v9;
	v22 =	vmul.f32 v4, v19;
	v26 =	vadd.f32 v5, v11  }
0x177: {  	s4 =	simm.s32 $0x20;
	s6 =	simm.s32 $0xC040;
	s16 =	simm.s32 $0x100;
	v5 =	vld [tilespmem:s25+$0x0];
	v11 =	vadd.s32 v20, v8;
	v7 =	vadd.f32 v7, v17  }
0x178: {  	s9 =	sand.u32 $0x70, s4;
	s10 =	sand.u32 $0x7C00, s16;
	v12 =	vadd.f32 v22, v12;
	v8 =	vld [tilespmem:s6+$0x0];
	[tilespmem:s1+$0xE100] =	vst v26  }
0x179: {  	s19 =	sor.u32 s9, s10;
	[tilespmem:s17+$0xE080] =	vst v7;
	v7 =	vld.idx.msk [tilespmem:v14+s21+$0x0], $0xffff  }
0x17a: {  	[tilespmem:s19+$0xE000] =	vst v12;
	v12 =	vld.idx.msk [tilespmem:v21+s21+$0x0], $0xffff  }
0x17b: {  	v17 =	vld.idx.msk [tilespmem:v23+s21+$0x0], $0xffff  }
0x17c: {  	v22 =	vadd.s32 $0x4, v18;
	v14 =	vmul.f32 v24, v13;
	v21 =	vld.idx.msk [tilespmem:v11+s21+$0x0], $0xffff  }
0x17d: {  	v28 =	vadd.s32 $0x2, v9;
	v27 =	vadd.s32 $0x3, v25;
	v23 =	vmul.f32 v3, v15  }
0x17e: {  	s12 =	simm.s32 $0xD040;
	v26 =	vmul.f32 v4, v16;
	v8 =	vmul.u32 $0x41, v8;
	v29 =	vadd.f32 v7, v14  }
0x17f: {  	s13 =	simm.s32 $0xC050;
	v31 =	vadd.s32 $0x1, v11;
	v30 =	vmul.f32 v5, v19;
	v7 =	vld [tilespmem:s12+$0x0];
	v12 =	vadd.f32 v12, v23  }
0x180: {  	s14 =	simm.s32 $0x30;
	s10 =	simm.s32 $0x180;
	v23 =	vld [tilespmem:s13+$0x0];
	v14 =	vadd.s32 v20, v8;
	v8 =	vadd.f32 v17, v26;
	[tilespmem:s1+$0xE180] =	vst v29  }
0x181: {  	s18 =	sand.u32 $0x70, s14;
	s20 =	sand.u32 $0x7C00, s10;
	v17 =	vadd.f32 v30, v21;
	[tilespmem:s17+$0xE100] =	vst v12;
	v12 =	vld.idx.msk [tilespmem:v22+s21+$0x0], $0xffff  }
0x182: {  	s13 =	sor.u32 s18, s20;
	[tilespmem:s19+$0xE080] =	vst v8;
	v21 =	vld.idx.msk [tilespmem:v27+s21+$0x0], $0xffff  }
0x183: {  	[tilespmem:s13+$0xE000] =	vst v17;
	v17 =	vld.idx.msk [tilespmem:v28+s21+$0x0], $0xffff  }
0x184: {  	v26 =	vadd.s32 $0x5, v18;
	v8 =	vmul.f32 v24, v10;
	v22 =	vld.idx.msk [tilespmem:v31+s21+$0x0], $0xffff  }
0x185: {  	v42 =	vadd.s32 $0x3, v9;
	v30 =	vadd.s32 $0x4, v25;
	v28 =	vmul.f32 v3, v13;
	v27 =	vld.idx.msk [tilespmem:v14+s21+$0x0], $0xffff  }
0x186: {  	s22 =	simm.s32 $0xD050;
	v43 =	vadd.s32 $0x2, v11;
	v29 =	vmul.f32 v4, v15;
	v12 =	vadd.f32 v12, v8  }
0x187: {  	s23 =	simm.s32 $0xC060;
	v31 =	vmul.f32 v5, v16;
	v23 =	vmul.u32 $0x41, v23;
	v8 =	vld [tilespmem:s22+$0x0];
	v21 =	vadd.f32 v21, v28  }
0x188: {  	v45 =	vadd.s32 $0x1, v14;
	v44 =	vmul.f32 v7, v19;
	v28 =	vld [tilespmem:s23+$0x0];
	v29 =	vadd.f32 v17, v29;
	[tilespmem:s1+$0xE200] =	vst v12  }
0x189: {  	s25 =	simm.s32 $0x40;
	s20 =	simm.s32 $0x200;
	v17 =	vadd.s32 v20, v23;
	v12 =	vadd.f32 v22, v31;
	[tilespmem:s17+$0xE180] =	vst v21;
	v21 =	vld.idx.msk [tilespmem:v26+s21+$0x0], $0xffff  }
0x18a: {  	s2 =	sand.u32 $0x70, s25;
	s4 =	sand.u32 $0x7C00, s20;
	v22 =	vadd.f32 v44, v27;
	[tilespmem:s19+$0xE100] =	vst v29;
	v23 =	vld.idx.msk [tilespmem:v30+s21+$0x0], $0xffff  }
0x18b: {  	s29 =	sor.u32 s2, s4;
	[tilespmem:s13+$0xE080] =	vst v12;
	v26 =	vld.idx.msk [tilespmem:v42+s21+$0x0], $0xffff  }
0x18c: {  	[tilespmem:s29+$0xE000] =	vst v22;
	v22 =	vld.idx.msk [tilespmem:v43+s21+$0x0], $0xffff  }
0x18d: {  	v27 =	vadd.s32 $0x6, v18;
	v12 =	vmul.f32 v24, v6;
	v29 =	vld.idx.msk [tilespmem:v45+s21+$0x0], $0xffff  }
0x18e: {  	v49 =	vadd.s32 $0x4, v9;
	v46 =	vadd.s32 $0x5, v25;
	s6 =	simm.s32 $0xD060;
	v30 =	vmul.f32 v3, v10;
	v47 =	vld.idx.msk [tilespmem:v17+s21+$0x0], $0xffff  }
0x18f: {  	s8 =	simm.s32 $0xC070;
	v51 =	vadd.s32 $0x3, v11;
	v31 =	vmul.f32 v4, v13;
	v21 =	vadd.f32 v21, v12;
	v12 =	vld [tilespmem:s6+$0x0]  }
0x190: {  	v48 =	vmul.f32 v5, v15;
	v52 =	vadd.s32 $0x2, v14;
	v23 =	vadd.f32 v23, v30;
	v30 =	vld [tilespmem:s8+$0x0];
	s8 =	simm.s32 $0xC080  }
0x191: {  	v50 =	vmul.f32 v7, v16;
	v28 =	vmul.u32 $0x41, v28;
	v26 =	vadd.f32 v26, v31;
	v34 =	vld [tilespmem:s8+$0x0];
	[tilespmem:s1+$0xE280] =	vst v21  }
0x192: {  	v53 =	vadd.s32 $0x1, v17;
	v31 =	vmul.f32 v8, v19;
	v22 =	vadd.f32 v22, v48;
	[tilespmem:s17+$0xE200] =	vst v23;
	v23 =	vld.idx.msk [tilespmem:v27+s21+$0x0], $0xffff  }
0x193: {  	s9 =	simm.s32 $0x50;
	s18 =	simm.s32 $0x280;
	v21 =	vadd.s32 v20, v28;
	v27 =	vadd.f32 v29, v50;
	[tilespmem:s19+$0xE180] =	vst v26;
	v26 =	vld.idx.msk [tilespmem:v46+s21+$0x0], $0xffff  }
0x194: {  	s12 =	sand.u32 $0x7C00, s18;
	s2 =	sand.u32 $0x70, s9;
	v28 =	vadd.f32 v31, v47;
	[tilespmem:s13+$0xE100] =	vst v22;
	v22 =	vld.idx.msk [tilespmem:v49+s21+$0x0], $0xffff  }
0x195: {  	s22 =	sor.u32 s2, s12;
	v29 =	vmul.f32 v24, v2;
	v31 =	vadd.s32 $0x7, v18;
	[tilespmem:s29+$0xE080] =	vst v27;
	v27 =	vld.idx.msk [tilespmem:v51+s21+$0x0], $0xffff  }
0x196: {  	v59 =	vadd.s32 $0x5, v9;
	v56 =	vadd.s32 $0x6, v25;
	v54 =	vmul.f32 v3, v6;
	[tilespmem:s22+$0xE000] =	vst v28;
	v28 =	vld.idx.msk [tilespmem:v52+s21+$0x0], $0xffff  }
0x197: {  	v57 =	vmul.f32 v4, v10;
	v60 =	vadd.s32 $0x4, v11;
	v55 =	vld.idx.msk [tilespmem:v53+s21+$0x0], $0xffff;
	v23 =	vadd.f32 v23, v29  }
0x198: {  	v40 =	vadd.s32 $0x3, v14;
	s2 =	simm.s32 $0xD070;
	v58 =	vld.idx.msk [tilespmem:v21+s21+$0x0], $0xffff;
	v29 =	vmul.f32 v5, v13;
	v26 =	vadd.f32 v26, v54  }
0x199: {  	v61 =	vmul.f32 v7, v15;
	v41 =	vadd.s32 $0x2, v17;
	v18 =	vld [tilespmem:s2+$0x0];
	v22 =	vadd.f32 v22, v57;
	[tilespmem:s1+$0xE300] =	vst v23  }
0x19a: {  	v62 =	vmul.f32 v8, v16;
	v35 =	vadd.s32 $0x1, v21;
	v29 =	vadd.f32 v27, v29;
	[tilespmem:s17+$0xE280] =	vst v26;
	v27 =	vld.idx.msk [tilespmem:v31+s21+$0x0], $0xffff  }
0x19b: {  	v31 =	vmul.f32 v12, v19;
	v28 =	vadd.f32 v28, v61;
	[tilespmem:s19+$0xE200] =	vst v22;
	v23 =	vld.idx.msk [tilespmem:v56+s21+$0x0], $0xffff;
	v22 =	vmul.u32 $0x41, v30  }
0x19c: {  	s30 =	simm.s32 $0x300;
	s14 =	simm.s32 $0x60;
	v30 =	vadd.f32 v55, v62;
	[tilespmem:s13+$0xE180] =	vst v29;
	v26 =	vld.idx.msk [tilespmem:v59+s21+$0x0], $0xffff  }
0x19d: {  	s25 =	sand.u32 $0x7, s11;
	s23 =	sand.u32 $0x7C00, s30;
	s1 =	sand.u32 $0x70, s14;
	v63 =	vadd.f32 v31, v58;
	[tilespmem:s29+$0xE100] =	vst v28;
	v29 =	vld.idx.msk [tilespmem:v60+s21+$0x0], $0xffff;
	v22 =	vadd.s32 v20, v22  }
0x19e: {  	s9 =	sshll.u32 s25, $0x4;
	s25 =	simm.s32 $0x0;
	s23 =	sor.u32 s1, s23;
	[tilespmem:s22+$0xE080] =	vst v30;
	v31 =	vmul.f32 v24, v1;
	v32 =	vld.idx.msk [tilespmem:v40+s21+$0x0], $0xffff  }
0x19f: {  	s12 =	simm.s32 $0x70;
	s14 =	simm.s32 $0x80;
	s1 =	simm.s32 $0x90;
	v30 =	vmul.f32 v4, v6;
	v28 =	vmul.f32 v3, v2;
	v24 =	vadd.s32 $0x7, v25;
	v33 =	vld.idx.msk [tilespmem:v41+s21+$0x0], $0xffff;
	[tilespmem:s23+$0xE000] =	vst v63  }
.LBB2_7:
0x1a0: {  	p0 =	sne.s32 s1, $0xFF0;
	v25 =	vld.idx.msk [tilespmem:v35+s21+$0x0], $0xffff;
	v35 =	vmul.f32 v5, v10;
	v36 =	vadd.s32 $0x6, v9;
	s9 =	sadd.s32 s9, s11;
	v27 =	vadd.f32 v27, v31;
	v37 =	vmovc v7  }
0x1a1: {  	v7 =	vmovc v8;
	v8 =	vmovc v12;
	v12 =	vmov v18;
	v31 =	vmov v34;
	v38 =	vmov v9;
	s11 =	smov.u32 s7;
	s7 =	smov.u32 s16;
	s16 =	smov.u32 s10  }
0x1a2: {  	s2 =	sadd.s32 $0x10, s2;
	v41 =	vadd.s32 $0x5, v11;
	v9 =	vmovc v11;
	s10 =	smov.u32 s20;
	v39 =	vld.idx.msk [tilespmem:v22+s21+$0x0], $0xffff;
	v40 =	vmul.f32 v37, v13;
	v23 =	vadd.f32 v23, v28;
	s9 =	sor.u32 $0x380, s9  }
0x1a3: {  	s8 =	sadd.s32 $0x10, s8;
	v42 =	vadd.s32 $0x4, v14;
	v11 =	vmovc v14;
	s20 =	smov.u32 s18;
	s18 =	smov.u32 s30;
	v28 =	vmul.f32 v7, v15;
	v26 =	vadd.f32 v26, v30;
	v18 =	vld [tilespmem:s2+$0x0];
	[tilespmem:s9+$0xE000] =	vst v27  }
0x1a4: {  	v43 =	vadd.s32 $0x3, v17;
	v14 =	vmovc v17;
	v30 =	vmul.f32 v8, v16;
	v29 =	vadd.f32 v29, v35;
	v34 =	vld [tilespmem:s8+$0x0];
	[tilespmem:s17+$0xE300] =	vst v23;
	s17 =	smov.u32 s19;
	s19 =	smov.u32 s13;
	s13 =	smov.u32 s29  }
0x1a5: {  	v44 =	vadd.s32 $0x2, v21;
	v17 =	vmovc v21;
	v31 =	vmul.u32 $0x41, v31;
	v32 =	vadd.f32 v32, v40;
	s29 =	smov.u32 s22;
	s22 =	smov.u32 s23;
	[tilespmem:s17+$0xE280] =	vst v26;
	v27 =	vld.idx.msk [tilespmem:v24+s21+$0x0], $0xffff  }
.Ltmp2:
0x1a6: {  	v35 =	vadd.s32 $0x1, v22;
	v24 =	vmul.f32 v12, v19;
	v28 =	vadd.f32 v33, v28;
	[tilespmem:s19+$0xE200] =	vst v29;
	v23 =	vld.idx.msk [tilespmem:v36+s21+$0x0], $0xffff;
	(pc) =	sbr.rel @p0 .LBB2_7-.Ltmp2, $4  }
0x1a7: {  	s30 =	sadd.s32 $0x80, s30;
	v21 =	vmov v22;
	v22 =	vadd.s32 v20, v31;
	v25 =	vadd.f32 v25, v30;
	[tilespmem:s13+$0xE180] =	vst v32;
	v26 =	vld.idx.msk [tilespmem:v41+s21+$0x0], $0xffff  }
0x1a8: {  	s25 =	sadd.s32 $0x1, s25;
	s9 =	sand.u32 $0x70, s12;
	s12 =	sand.u32 $0x7C00, s30;
	v24 =	vadd.f32 v24, v39;
	[tilespmem:s29+$0xE100] =	vst v28;
	v29 =	vld.idx.msk [tilespmem:v42+s21+$0x0], $0xffff  }
0x1a9: {  	s23 =	sor.u32 s9, s12;
	s9 =	sand.u32 $0x7, s25;
	v31 =	vmul.f32 v3, v1;
	v3 =	vmovc v4;
	v4 =	vmov v5;
	v5 =	vmov v37;
	s12 =	smov.u32 s14;
	[tilespmem:s22+$0xE080] =	vst v25;
	v32 =	vld.idx.msk [tilespmem:v43+s21+$0x0], $0xffff  }
0x1aa: {  	s14 =	smov.u32 s1;
	s1 =	sadd.s32 $0x10, s1;
	s9 =	sshll.u32 s9, $0x4;
	v30 =	vmul.f32 v4, v6;
	v28 =	vmul.f32 v3, v2;
	[tilespmem:s23+$0xE000] =	vst v24;
	v33 =	vld.idx.msk [tilespmem:v44+s21+$0x0], $0xffff;
	v24 =	vadd.s32 $0x7, v38  }
0x1ab: {  	v25 =	vmul.u32 $0x41, v34;
	_ =	sdelay $0x1  }
0x1ac: {  	v25 =	vadd.s32 v20, v25;
	_ =	sdelay $0x1  }
0x1ad: {  	s1 =	sadd.s32 $0x10, s2  }
0x1ae: {  	v20 =	vld [tilespmem:s1+$0x0]  }
0x1af: {  	v58 =	vld.idx.msk [tilespmem:v22+s21+$0x0], $0xffff  }
0x1b0: {  	v36 =	vld.idx.msk [tilespmem:v25+s21+$0x0], $0xffff;
	_ =	sdelay $0x1  }
0x1b1: {  	v37 =	vmul.f32 v18, v19;
	v38 =	vadd.s32 $0x1, v22  }
0x1b2: {  	s1 =	sadd.s32 $0x80, s30;
	v39 =	vadd.s32 $0x1, v25;
	v59 =	vmul.f32 v20, v19  }
0x1b3: {  	s8 =	sand.u32 $0x70, s12;
	s6 =	sand.u32 $0x7C00, s1;
	s2 =	sadd.s32 $0x80, s1;
	v34 =	vadd.f32 v37, v58  }
0x1b4: {  	s4 =	sand.u32 $0x70, s14;
	s12 =	sor.u32 s8, s6;
	s6 =	sand.u32 $0x7C00, s2;
	v19 =	vadd.f32 v59, v36  }
0x1b5: {  	v35 =	vld.idx.msk [tilespmem:v35+s21+$0x0], $0xffff;
	s8 =	sor.u32 s4, s6;
	[tilespmem:s12+$0xE000] =	vst v34  }
0x1b6: {  	v34 =	vld.idx.msk [tilespmem:v38+s21+$0x0], $0xffff;
	[tilespmem:s8+$0xE000] =	vst v19  }
0x1b7: {  	v19 =	vld.idx.msk [tilespmem:v39+s21+$0x0], $0xffff  }
0x1b8: {  	v60 =	vmul.f32 v12, v16;
	v61 =	vadd.s32 $0x2, v21  }
0x1b9: {  	v62 =	vmul.f32 v18, v16;
	v63 =	vadd.s32 $0x2, v22  }
0x1ba: {  	v43 =	vadd.s32 $0x2, v25;
	v35 =	vadd.f32 v35, v60;
	v42 =	vmul.f32 v20, v16  }
0x1bb: {  	v34 =	vadd.f32 v34, v62  }
0x1bc: {  	[tilespmem:s23+$0xE080] =	vst v35;
	v16 =	vadd.f32 v19, v42  }
0x1bd: {  	v44 =	vld.idx.msk [tilespmem:v61+s21+$0x0], $0xffff;
	[tilespmem:s12+$0xE080] =	vst v34  }
0x1be: {  	v34 =	vld.idx.msk [tilespmem:v63+s21+$0x0], $0xffff;
	[tilespmem:s8+$0xE080] =	vst v16  }
0x1bf: {  	v45 =	vmul.f32 v8, v15;
	v46 =	vadd.s32 $0x3, v17;
	v36 =	vld.idx.msk [tilespmem:v43+s21+$0x0], $0xffff  }
0x1c0: {  	v47 =	vmul.f32 v12, v15;
	v48 =	vadd.s32 $0x3, v21  }
0x1c1: {  	v49 =	vmul.f32 v18, v15;
	v50 =	vadd.s32 $0x3, v22;
	v16 =	vadd.f32 v33, v45  }
0x1c2: {  	v52 =	vadd.s32 $0x3, v25;
	v51 =	vmul.f32 v20, v15;
	v19 =	vadd.f32 v44, v47  }
0x1c3: {  	v53 =	vadd.f32 v34, v49;
	[tilespmem:s22+$0xE100] =	vst v16  }
0x1c4: {  	[tilespmem:s23+$0xE100] =	vst v19;
	v54 =	vld.idx.msk [tilespmem:v46+s21+$0x0], $0xffff;
	v15 =	vadd.f32 v36, v51  }
0x1c5: {  	v19 =	vld.idx.msk [tilespmem:v48+s21+$0x0], $0xffff;
	[tilespmem:s12+$0xE100] =	vst v53  }
0x1c6: {  	v55 =	vmul.f32 v7, v13;
	v56 =	vadd.s32 $0x4, v14;
	v57 =	vld.idx.msk [tilespmem:v50+s21+$0x0], $0xffff;
	[tilespmem:s8+$0xE100] =	vst v15  }
0x1c7: {  	v58 =	vmul.f32 v8, v13;
	v59 =	vadd.s32 $0x4, v17;
	v37 =	vld.idx.msk [tilespmem:v52+s21+$0x0], $0xffff  }
0x1c8: {  	v60 =	vmul.f32 v12, v13;
	v61 =	vadd.s32 $0x4, v21;
	v16 =	vadd.f32 v32, v55  }
0x1c9: {  	v62 =	vmul.f32 v18, v13;
	v63 =	vadd.s32 $0x4, v22;
	v15 =	vadd.f32 v54, v58  }
0x1ca: {  	v42 =	vmul.f32 v20, v13;
	v43 =	vadd.s32 $0x4, v25;
	[tilespmem:s29+$0xE180] =	vst v16;
	v41 =	vadd.f32 v19, v60  }
0x1cb: {  	v44 =	vld.idx.msk [tilespmem:v56+s21+$0x0], $0xffff;
	v45 =	vadd.f32 v57, v62;
	[tilespmem:s22+$0xE180] =	vst v15  }
0x1cc: {  	[tilespmem:s23+$0xE180] =	vst v41;
	v46 =	vld.idx.msk [tilespmem:v59+s21+$0x0], $0xffff;
	v13 =	vadd.f32 v37, v42  }
0x1cd: {  	v47 =	vmul.f32 v5, v10;
	v48 =	vadd.s32 $0x5, v11;
	v49 =	vld.idx.msk [tilespmem:v61+s21+$0x0], $0xffff;
	[tilespmem:s12+$0xE180] =	vst v45  }
0x1ce: {  	v50 =	vmul.f32 v7, v10;
	v51 =	vadd.s32 $0x5, v14;
	v52 =	vld.idx.msk [tilespmem:v63+s21+$0x0], $0xffff;
	[tilespmem:s8+$0xE180] =	vst v13  }
0x1cf: {  	v53 =	vadd.f32 v29, v47;
	v55 =	vadd.s32 $0x5, v17;
	v54 =	vmul.f32 v8, v10;
	v19 =	vld.idx.msk [tilespmem:v43+s21+$0x0], $0xffff  }
0x1d0: {  	v56 =	vmul.f32 v12, v10;
	v57 =	vadd.s32 $0x5, v21;
	v15 =	vadd.f32 v44, v50  }
0x1d1: {  	[tilespmem:s13+$0xE200] =	vst v53;
	v60 =	vadd.s32 $0x5, v22;
	v59 =	vmul.f32 v18, v10;
	v58 =	vadd.f32 v46, v54  }
0x1d2: {  	v34 =	vld.idx.msk [tilespmem:v48+s21+$0x0], $0xffff;
	v62 =	vmul.f32 v20, v10;
	v63 =	vadd.s32 $0x5, v25;
	[tilespmem:s29+$0xE200] =	vst v15;
	v61 =	vadd.f32 v49, v56  }
0x1d3: {  	v39 =	vld.idx.msk [tilespmem:v51+s21+$0x0], $0xffff;
	v40 =	vadd.f32 v52, v59;
	[tilespmem:s22+$0xE200] =	vst v58  }
0x1d4: {  	v41 =	vadd.s32 $0x6, v9;
	[tilespmem:s23+$0xE200] =	vst v61;
	v29 =	vld.idx.msk [tilespmem:v55+s21+$0x0], $0xffff;
	v10 =	vadd.f32 v19, v62  }
0x1d5: {  	s9 =	sadd.s32 s9, s11;
	v44 =	vadd.s32 $0x6, v11;
	v42 =	vadd.f32 v27, v31;
	v43 =	vmul.f32 v5, v6;
	v45 =	vld.idx.msk [tilespmem:v57+s21+$0x0], $0xffff;
	[tilespmem:s12+$0xE200] =	vst v40  }
0x1d6: {  	s9 =	sor.u32 $0x380, s9;
	v47 =	vmul.f32 v7, v6;
	v48 =	vadd.s32 $0x6, v14;
	v46 =	vadd.f32 v26, v30;
	v33 =	vld.idx.msk [tilespmem:v60+s21+$0x0], $0xffff;
	[tilespmem:s8+$0xE200] =	vst v10  }
0x1d7: {  	v50 =	vmul.f32 v8, v6;
	v51 =	vadd.s32 $0x6, v17;
	[tilespmem:s9+$0xE000] =	vst v42;
	v49 =	vadd.f32 v34, v43;
	v32 =	vld.idx.msk [tilespmem:v63+s21+$0x0], $0xffff  }
0x1d8: {  	v53 =	vmul.f32 v12, v6;
	v54 =	vadd.s32 $0x6, v21;
	[tilespmem:s19+$0xE280] =	vst v46;
	v52 =	vadd.f32 v39, v47  }
0x1d9: {  	v56 =	vmul.f32 v18, v6;
	v57 =	vadd.s32 $0x6, v22;
	v16 =	vld.idx.msk [tilespmem:v41+s21+$0x0], $0xffff;
	[tilespmem:s13+$0xE280] =	vst v49;
	v55 =	vadd.f32 v29, v50  }
0x1da: {  	v59 =	vmul.f32 v20, v6;
	v60 =	vadd.s32 $0x6, v25;
	[tilespmem:s29+$0xE280] =	vst v52;
	v27 =	vld.idx.msk [tilespmem:v44+s21+$0x0], $0xffff;
	v58 =	vadd.f32 v45, v53  }
0x1db: {  	v30 =	vld.idx.msk [tilespmem:v48+s21+$0x0], $0xffff;
	v61 =	vadd.f32 v33, v56;
	[tilespmem:s22+$0xE280] =	vst v55  }
0x1dc: {  	v62 =	vmul.f32 v4, v2;
	[tilespmem:s23+$0xE280] =	vst v58;
	v63 =	vadd.s32 $0x7, v9;
	v19 =	vld.idx.msk [tilespmem:v51+s21+$0x0], $0xffff;
	v6 =	vadd.f32 v32, v59  }
0x1dd: {  	v35 =	vmul.f32 v5, v2;
	v36 =	vadd.s32 $0x7, v11;
	v33 =	vadd.f32 v23, v28;
	v37 =	vld.idx.msk [tilespmem:v54+s21+$0x0], $0xffff;
	[tilespmem:s12+$0xE280] =	vst v61  }
0x1de: {  	s25 =	sadd.s32 $0x1, s25;
	v40 =	vadd.s32 $0x7, v14;
	v39 =	vmul.f32 v7, v2;
	v38 =	vadd.f32 v16, v62;
	v41 =	vld.idx.msk [tilespmem:v57+s21+$0x0], $0xffff;
	[tilespmem:s8+$0xE280] =	vst v6  }
0x1df: {  	s0 =	sadd.s32 $0x1, s0;
	s4 =	sand.u32 $0x7, s25;
	s9 =	sadd.s32 $0x1, s25;
	v43 =	vmul.f32 v8, v2;
	v44 =	vadd.s32 $0x7, v17;
	[tilespmem:s17+$0xE300] =	vst v33;
	v42 =	vadd.f32 v27, v35;
	v45 =	vld.idx.msk [tilespmem:v60+s21+$0x0], $0xffff  }
0x1e0: {  	p0 =	sne.s32 s0, $0x19;
	s11 =	sshll.u32 s4, $0x4;
	s6 =	sand.u32 $0x7, s9;
	v47 =	vmul.f32 v12, v2;
	v48 =	vadd.s32 $0x7, v21;
	v24 =	vld.idx.msk [tilespmem:v24+s21+$0x0], $0xffff;
	[tilespmem:s19+$0xE300] =	vst v38;
	v46 =	vadd.f32 v30, v39  }
0x1e1: {  	s7 =	sadd.s32 s11, s7;
	s9 =	sadd.s32 $0x1, s9;
	v50 =	vmul.f32 v18, v2;
	s17 =	sshll.u32 s6, $0x4;
	v51 =	vadd.s32 $0x7, v22;
	[tilespmem:s13+$0xE300] =	vst v42;
	v9 =	vld.idx.msk [tilespmem:v63+s21+$0x0], $0xffff;
	v49 =	vadd.f32 v19, v43  }
0x1e2: {  	s7 =	sor.u32 $0x380, s7;
	v53 =	vadd.s32 $0x7, v25;
	v2 =	vmul.f32 v20, v2;
	s11 =	sadd.s32 s17, s16;
	s19 =	sand.u32 $0x7, s9;
	[tilespmem:s29+$0xE300] =	vst v46;
	v11 =	vld.idx.msk [tilespmem:v36+s21+$0x0], $0xffff;
	v52 =	vadd.f32 v37, v47  }
0x1e3: {  	v3 =	vmul.f32 v3, v1;
	s9 =	sadd.s32 $0x1, s9;
	s11 =	sor.u32 $0x380, s11;
	v14 =	vld.idx.msk [tilespmem:v40+s21+$0x0], $0xffff;
	s13 =	sshll.u32 s19, $0x4;
	v54 =	vadd.f32 v41, v50;
	[tilespmem:s22+$0xE300] =	vst v49  }
0x1e4: {  	v55 =	vmul.f32 v4, v1;
	s10 =	sadd.s32 s13, s10;
	[tilespmem:s23+$0xE300] =	vst v52;
	s22 =	sand.u32 $0x7, s9;
	s9 =	sadd.s32 $0x1, s9;
	v56 =	vld.idx.msk [tilespmem:v44+s21+$0x0], $0xffff;
	v2 =	vadd.f32 v45, v2  }
0x1e5: {  	v57 =	vmul.f32 v5, v1;
	v3 =	vadd.f32 v24, v3;
	s10 =	sor.u32 $0x380, s10;
	v10 =	vld.idx.msk [tilespmem:v48+s21+$0x0], $0xffff;
	[tilespmem:s12+$0xE300] =	vst v54;
	s25 =	sshll.u32 s22, $0x4;
	s29 =	sand.u32 $0x7, s9  }
0x1e6: {  	v58 =	vmul.f32 v7, v1;
	v59 =	vld.idx.msk [tilespmem:v51+s21+$0x0], $0xffff;
	v4 =	vadd.f32 v9, v55;
	s9 =	sadd.s32 $0x1, s9;
	s4 =	sadd.s32 s25, s20;
	s6 =	sshll.u32 s29, $0x4;
	[tilespmem:s8+$0xE300] =	vst v2  }
0x1e7: {  	[tilespmem:s7+$0xE000] =	vst v3;
	v3 =	vmul.f32 v8, v1;
	s14 =	sand.u32 $0x7, s9;
	s9 =	sadd.s32 $0x1, s9;
	s12 =	sor.u32 $0x380, s4;
	v2 =	vadd.f32 v11, v57;
	v60 =	vld.idx.msk [tilespmem:v53+s21+$0x0], $0xffff  }
0x1e8: {  	v62 =	vmul.f32 v12, v1;
	v61 =	vadd.f32 v14, v58;
	s13 =	sadd.s32 s6, s18;
	[tilespmem:s11+$0xE000] =	vst v4;
	s16 =	sshll.u32 s14, $0x4;
	s17 =	sand.u32 $0x7, s9  }
0x1e9: {  	s9 =	sadd.s32 $0x1, s9;
	s18 =	sadd.s32 s16, s30;
	s19 =	sshll.u32 s17, $0x4;
	[tilespmem:s10+$0xE000] =	vst v2;
	v2 =	vadd.f32 v56, v3;
	v3 =	vmul.f32 v18, v1  }
0x1ea: {  	[tilespmem:s12+$0xE000] =	vst v61;
	v63 =	vadd.f32 v10, v62;
	s9 =	sand.u32 $0x7, s9;
	s7 =	sor.u32 $0x380, s18;
	s8 =	sor.u32 $0x380, s13;
	v1 =	vmul.f32 v20, v1  }
.Ltmp3:
0x1eb: {  	s1 =	sadd.s32 s19, s1;
	s20 =	sshll.u32 s9, $0x4;
	[tilespmem:s8+$0xE000] =	vst v2;
	v2 =	vadd.f32 v59, v3;
	(pc) =	sbr.rel @p0 .LBB2_4-.Ltmp3, $4  }
0x1ec: {  	s5 =	sshll.u32 s5, $0xC;
	[tilespmem:s7+$0xE000] =	vst v63;
	s1 =	sor.u32 $0x380, s1;
	s2 =	sadd.s32 s20, s2;
	v1 =	vadd.f32 v60, v1  }
0x1ed: {  	s23 =	sshll.u32 s3, $0xF;
	s25 =	sadd.s32 s31, s5;
	s22 =	sor.u32 $0x380, s2;
	[tilespmem:s1+$0xE000] =	vst v2  }
0x1ee: {  	s29 =	sadd.s32 s23, s25;
	s30 =	simm.s32 $0xE000;
	[tilespmem:s22+$0xE000] =	vst v1  }
0x1ef: {  	[hbm4b:s29+s24] =	stream.linear.scatter [tilespmem:s30], [sflag:$0x4], $0x8000, $0x38;
	[tilespmem:$0x16000] =	vst v63  }
0x1f0: {  	s0 =	simm.s32 $0x3  }
0x1f1: {  	_ =	swait.ge [sflag:s0], $0x8000  }
0x1f2: {  	[sflag:s0] =	ssyncset.done $0x0  }
0x1f3: {  	s1 =	simm.s32 $0x4;
	[sflag:s0] =	ssyncadd.s32 $0xFFFF8000  }
0x1f4: {  	_ =	swait.ge [sflag:s1], $0x8000  }
0x1f5: {  	s2 =	rddreg [dreg:$0xc]  }
0x1f6: {  	s30 =	rddreg [dreg:$0xb];
	s2 =	sadd.s32 $0x1, s2  }
0x1f7: {  	p0 =	sne.s32 s2, s30  }
.Ltmp4:
0x1f8: {  	_ = 	snop;
	(pc) =	sbr.rel @p0 .LBB2_1-.Ltmp4, $3  }
0x1f9: {  	_ =	sdelay $0x1  }
0x1fa: {  	[sflag:s1] =	ssyncset.done $0x0  }
0x1fb: {  	[sflag:s1] =	ssyncadd.s32 $0xFFFF8000  }
0x1fc: {  	_ =	sfence.sel $0x180000  }
0x1fd: {  	[bflag:$0x0] =	sbarrier.arrive $0xFFFF  }
0x1fe: {  	_ =	strace $0x90000047  }
0x1ff: {  	s0 =	stileid.u32;
	[bflag:$0x2] =	sbarrier.arrive $0xFFFF  }
0x200: {  	p0 =	sne.s32 s0, $0x0;
	s0 =	rddreg [dreg:$0x6]  }
0x201: {  	s0 =	sadd.s32 @!p0 $0x100000, s0  }
0x202: {  	[sflag:s0] =	ssyncadd.tile.s32 @!p0 $0x1;
	_ =	shalt  }
.Lfunc_end2:
_tile_overlayer_lowered:
.L_overlay_start_2:
0x203: {  	(tag) =	ssettag $0x2  }
0x204: {  	s0 =	rddreg [dreg:$0x0];
	s2 =	stileid.u32  }
0x205: {  	s1 =	rddreg [dreg:$0x1];
	p0 =	sne.s32 s2, $0x0  }
0x206: {  	s3 =	rddreg [dreg:$0x2];
	[bflag:$0x3] =	sbarrier.arrive $0xFFFF;
	s2 =	simm.s32 @!p0 $0x1C05  }
0x207: {  	[timem:s3], [sflag:s2] =	dma.local @!p0 [hbm:s0], s1  }
0x208: {  	s0 =	simm.s32 @!p0 $0x5  }
0x209: {  	_ =	swait.ge @!p0 [sflag:s0], s1  }
0x20a: {  	s1 =	ssub.s32 @!p0 $0x0, s1;
	[sflag:s0] =	ssyncset.done @!p0 $0x0  }
0x20b: {  	[sflag:s0] =	ssyncadd.s32 @!p0 s1  }
0x20c: {  	[bflag:$0x3] =	sbarrier.arrive $0xFFFF  }
0x20d: {  	_ =	shalt  }

</sc_bundles>
